<compile_context>
chip_gen: v7x
topology: tpu7x:2x2x1
jax: 0.10.2.dev20260603
libtpu: 0.0.44.dev20260713+nightly
codegen_flags: <defaults>
</compile_context>

<pallas_src>
import functools

import jax
import jax.numpy as jnp
from jax import lax
from jax.experimental import pallas as pl
from jax.experimental.pallas import tpu as pltpu
from jax.experimental.pallas import tpu_sc as plsc

B = 16384
D = 128
V = 8
NC = 2
NS = 16
NW = NC * NS
B_PER_W = B // NW
CHUNK = 64
N_CHUNKS = B_PER_W // CHUNK
REP_PER_TILE = 4
N_REP = NS * REP_PER_TILE
GRP = REP_PER_TILE * V


def _body(names_hbm, emb_hbm, out_hbm, table_sh, idx_v, rows_v,
          sem_i, sem_s, sem_g, sem_w):
    sid = lax.axis_index("s")
    wid = sid * NC + lax.axis_index("c")
    base = wid * B_PER_W

    pltpu.async_copy(names_hbm.at[pl.ds(base, B_PER_W)], idx_v, sem_i)
    pltpu.async_copy(
        emb_hbm.at[pl.ds(wid * GRP, GRP)],
        table_sh.at[pl.ds(sid * GRP, GRP)],
        sem_s,
    )
    pltpu.make_async_copy(
        emb_hbm.at[pl.ds(wid * GRP, GRP)],
        table_sh.at[pl.ds(sid * GRP, GRP)],
        sem_s,
    ).wait()
    pltpu.make_async_copy(names_hbm.at[pl.ds(base, B_PER_W)], idx_v, sem_i).wait()
    plsc.subcore_barrier()
    for j in range(N_CHUNKS):
        pltpu.async_copy(
            table_sh.at[idx_v.at[pl.ds(j * CHUNK, CHUNK)]],
            rows_v.at[pl.ds(j * CHUNK, CHUNK)],
            sem_g.at[j],
        )
    for j in range(N_CHUNKS):
        pltpu.make_async_copy(
            table_sh.at[idx_v.at[pl.ds(j * CHUNK, CHUNK)]],
            rows_v.at[pl.ds(j * CHUNK, CHUNK)],
            sem_g.at[j],
        ).wait()
        pltpu.async_copy(
            rows_v.at[pl.ds(j * CHUNK, CHUNK)],
            out_hbm.at[pl.ds(base + j * CHUNK, CHUNK)],
            sem_w,
        )
    for j in range(N_CHUNKS):
        pltpu.make_async_copy(
            rows_v.at[pl.ds(j * CHUNK, CHUNK)],
            out_hbm.at[pl.ds(base + j * CHUNK, CHUNK)],
            sem_w,
        ).wait()


@jax.jit
def kernel(names, emb):
    mesh = plsc.VectorSubcoreMesh(core_axis_name="c", subcore_axis_name="s")
    f = pl.kernel(
        _body,
        out_type=jax.ShapeDtypeStruct((B, D), jnp.float32),
        mesh=mesh,
        scratch_types=[
            pltpu.VMEM_SHARED((N_REP * V, D), jnp.float32),
            pltpu.VMEM((B_PER_W,), jnp.int32),
            pltpu.VMEM((B_PER_W, D), jnp.float32),
            pltpu.SemaphoreType.DMA,
            pltpu.SemaphoreType.DMA,
            pltpu.SemaphoreType.DMA((N_CHUNKS,)),
            pltpu.SemaphoreType.DMA,
        ],
    )
    emb_rep = jnp.tile(emb, (NW * REP_PER_TILE, 1))
    p = lax.iota(jnp.int32, B)
    sid = (p // B_PER_W) // NC
    rep_off = (sid * REP_PER_TILE + (p % REP_PER_TILE)) * V
    return f(names.astype(jnp.int32) + rep_off, emb_rep)

# --- scband reference (transcript-rebuilt; emitter-appended) ---
"""Pipeline reference for scband-entity-embedding-3393024164394 (READ-ONLY COPY).

The authoritative reference and input builder live on the scoring server;
editing this copy changes nothing except your own understanding.
"""

import jax, jax.numpy as jnp
import numpy as np

B = 16384
N_VOCAB = 8
ID_DIM = 128

def setup_inputs(seed: int = 0) -> dict:
    key = jax.random.key(seed)
    k_idx, k_emb = jax.random.split(key)
    names = jax.random.randint(k_idx, (B,), 0, N_VOCAB, dtype=jnp.int64 if jax.config.jax_enable_x64 else jnp.int32)
    emb = jax.random.normal(k_emb, (N_VOCAB, ID_DIM), dtype=jnp.float32)
    return {"names": names, "emb": emb}

def reference(names, emb):
    # Faithful translation of EntityEmbedding.forward: embedding lookup by index.
    # (Name->index string mapping is a host-side preprocessing step; indices are
    # provided directly, with out-of-vocab already mapped to the 'unknown' row.)
    return jnp.take(emb, names, axis=0)

if __name__ == "__main__":
    import jax
    _d = setup_inputs()
    print(jax.jit(kernel)(*tuple(_d.values())))

</pallas_src>

<mosaic_0001>
#map = affine_map<(d0, d1) -> (0)>
#map1 = affine_map<(d0, d1) -> (0, 0)>
module attributes {stable_mosaic.version = 14 : i64} {
  func.func @_body(%arg0: i32, %arg1: i32, %arg2: memref<16384xi32, #tpu.memory_space<hbm>>, %arg3: memref<1024x128xf32, #tpu.memory_space<hbm>>, %arg4: memref<16384x128xf32, #tpu.memory_space<hbm>>, %arg5: memref<512x128xf32, #tpu.memory_space<vmem_shared>>, %arg6: memref<512xi32, #tpu.memory_space<vmem>>, %arg7: memref<512x128xf32, #tpu.memory_space<vmem>>, %arg8: memref<!tpu.dma_semaphore, #tpu.memory_space<semaphore_mem>>, %arg9: memref<!tpu.dma_semaphore, #tpu.memory_space<semaphore_mem>>, %arg10: memref<8x!tpu.dma_semaphore, #tpu.memory_space<semaphore_mem>>, %arg11: memref<!tpu.dma_semaphore, #tpu.memory_space<semaphore_mem>>) attributes {dimension_semantics = [#tpu.dimension_semantics<core_parallel>, #tpu.dimension_semantics<subcore_parallel>], iteration_bounds = array<i64: 2, 16>, scalar_prefetch = 0 : i64, scratch_operands = 7 : i64, tpu.core_type = #tpu.core_type<sc_vector_subcore>, window_params = [{transform_indices = #map}, {transform_indices = #map1}, {transform_indices = #map1}]} {
    %mul3A = arith.constant 2 : i32
    %mul3A_0 = arith.muli %arg1, %mul3A : i32
    %add3A = arith.addi %mul3A_0, %arg0 : i32
    %mul3A_1 = arith.constant 512 : i32
    %mul3A_2 = arith.muli %add3A, %mul3A_1 : i32
    %dma_start3A = tpu.memref_slice %arg2[%mul3A_2] : memref<16384xi32, #tpu.memory_space<hbm>> -> memref<512xi32, #tpu.memory_space<hbm>>
    %dma_start3A_3 = tpu.memref_slice %arg2[%mul3A_2] : memref<16384xi32, #tpu.memory_space<hbm>> -> memref<512xi32, #tpu.memory_space<hbm>>
    tpu.enqueue_dma source(%dma_start3A_3 : memref<512xi32, #tpu.memory_space<hbm>>) target(%arg6 : memref<512xi32, #tpu.memory_space<vmem>>) target_semaphore(%arg8 : memref<!tpu.dma_semaphore, #tpu.memory_space<semaphore_mem>>)
    %mul3A_4 = arith.constant 32 : i32
    %mul3A_5 = arith.muli %add3A, %mul3A_4 : i32
    %mul3A_6 = arith.constant 32 : i32
    %mul3A_7 = arith.muli %arg1, %mul3A_6 : i32
    %dma_start3A_8 = arith.constant 0 : i32
    %dma_start3A_9 = tpu.memref_slice %arg5[%mul3A_7, %dma_start3A_8] : memref<512x128xf32, #tpu.memory_space<vmem_shared>> -> memref<32x128xf32, #tpu.memory_space<vmem_shared>>
    %dma_start3A_10 = arith.constant 0 : i32
    %dma_start3A_11 = tpu.memref_slice %arg3[%mul3A_5, %dma_start3A_10] : memref<1024x128xf32, #tpu.memory_space<hbm>> -> memref<32x128xf32, #tpu.memory_space<hbm>>
    tpu.enqueue_dma source(%dma_start3A_11 : memref<32x128xf32, #tpu.memory_space<hbm>>) target(%dma_start3A_9 : memref<32x128xf32, #tpu.memory_space<vmem_shared>>) target_semaphore(%arg9 : memref<!tpu.dma_semaphore, #tpu.memory_space<semaphore_mem>>)
    %mul3A_12 = arith.constant 32 : i32
    %mul3A_13 = arith.muli %add3A, %mul3A_12 : i32
    %mul3A_14 = arith.constant 32 : i32
    %mul3A_15 = arith.muli %arg1, %mul3A_14 : i32
    %dma_wait3A = arith.constant 0 : i32
    %dma_wait3A_16 = tpu.memref_slice %arg5[%mul3A_15, %dma_wait3A] : memref<512x128xf32, #tpu.memory_space<vmem_shared>> -> memref<32x128xf32, #tpu.memory_space<vmem_shared>>
    %dma_wait3A_17 = arith.constant 0 : i32
    %dma_wait3A_18 = tpu.memref_slice %arg3[%mul3A_13, %dma_wait3A_17] : memref<1024x128xf32, #tpu.memory_space<hbm>> -> memref<32x128xf32, #tpu.memory_space<hbm>>
    tpu.wait_dma2 semaphore(%arg9 : memref<!tpu.dma_semaphore, #tpu.memory_space<semaphore_mem>>) src(%dma_wait3A_18 : memref<32x128xf32, #tpu.memory_space<hbm>>) dst(%dma_wait3A_16 : memref<32x128xf32, #tpu.memory_space<vmem_shared>>)
    %dma_wait3A_19 = tpu.memref_slice %arg2[%mul3A_2] : memref<16384xi32, #tpu.memory_space<hbm>> -> memref<512xi32, #tpu.memory_space<hbm>>
    %dma_wait3A_20 = tpu.memref_slice %arg2[%mul3A_2] : memref<16384xi32, #tpu.memory_space<hbm>> -> memref<512xi32, #tpu.memory_space<hbm>>
    tpu.wait_dma2 semaphore(%arg8 : memref<!tpu.dma_semaphore, #tpu.memory_space<semaphore_mem>>) src(%dma_wait3A_20 : memref<512xi32, #tpu.memory_space<hbm>>) dst(%arg6 : memref<512xi32, #tpu.memory_space<vmem>>)
    %barrier3A = arith.constant 0 : index
    tpu.barrier barrier_id(%barrier3A)
    %dma_start3A_21 = arith.constant 0 : i32
    %dma_start3A_22 = arith.constant 0 : i32
    %dma_start3A_23 = arith.constant 0 : i32
    %dma_start3A_24 = tpu.memref_slice %arg7[%dma_start3A_22, %dma_start3A_23] : memref<512x128xf32, #tpu.memory_space<vmem>> -> memref<64x128xf32, #tpu.memory_space<vmem>>
    %dma_start3A_25 = arith.constant 0 : i32
    %dma_start3A_26 = tpu.memref_slice %arg6[%dma_start3A_25] : memref<512xi32, #tpu.memory_space<vmem>> -> memref<64xi32, #tpu.memory_space<vmem>>
    %dma_start3A_27 = arith.constant 0 : i32
    %dma_start3A_28 = arith.constant 0 : i32
    %dma_start3A_29 = tpu.memref_slice %arg5[%dma_start3A_27, %dma_start3A_28] : memref<512x128xf32, #tpu.memory_space<vmem_shared>> -> memref<512x128xf32, #tpu.memory_space<vmem_shared>>
    %dma_start3A_30 = tpu.memref_slice %arg10[%dma_start3A_21] : memref<8x!tpu.dma_semaphore, #tpu.memory_space<semaphore_mem>> -> memref<1x!tpu.dma_semaphore, #tpu.memory_space<semaphore_mem>>
    %dma_start3A_31 = tpu.memref_squeeze %dma_start3A_30 : memref<1x!tpu.dma_semaphore, #tpu.memory_space<semaphore_mem>> -> memref<!tpu.dma_semaphore, #tpu.memory_space<semaphore_mem>>
    tpu.enqueue_indirect_dma source(%dma_start3A_29 : memref<512x128xf32, #tpu.memory_space<vmem_shared>>) target(%dma_start3A_24 : memref<64x128xf32, #tpu.memory_space<vmem>>) offsets(%dma_start3A_26 : memref<64xi32, #tpu.memory_space<vmem>>) semaphore(%dma_start3A_31 : memref<!tpu.dma_semaphore, #tpu.memory_space<semaphore_mem>>)
    %dma_start3A_32 = arith.constant 1 : i32
    %dma_start3A_33 = arith.constant 64 : i32
    %dma_start3A_34 = arith.constant 0 : i32
    %dma_start3A_35 = tpu.memref_slice %arg7[%dma_start3A_33, %dma_start3A_34] : memref<512x128xf32, #tpu.memory_space<vmem>> -> memref<64x128xf32, #tpu.memory_space<vmem>>
    %dma_start3A_36 = arith.constant 64 : i32
    %dma_start3A_37 = tpu.memref_slice %arg6[%dma_start3A_36] : memref<512xi32, #tpu.memory_space<vmem>> -> memref<64xi32, #tpu.memory_space<vmem>>
    %dma_start3A_38 = arith.constant 0 : i32
    %dma_start3A_39 = arith.constant 0 : i32
    %dma_start3A_40 = tpu.memref_slice %arg5[%dma_start3A_38, %dma_start3A_39] : memref<512x128xf32, #tpu.memory_space<vmem_shared>> -> memref<512x128xf32, #tpu.memory_space<vmem_shared>>
    %dma_start3A_41 = tpu.memref_slice %arg10[%dma_start3A_32] : memref<8x!tpu.dma_semaphore, #tpu.memory_space<semaphore_mem>> -> memref<1x!tpu.dma_semaphore, #tpu.memory_space<semaphore_mem>>
    %dma_start3A_42 = tpu.memref_squeeze %dma_start3A_41 : memref<1x!tpu.dma_semaphore, #tpu.memory_space<semaphore_mem>> -> memref<!tpu.dma_semaphore, #tpu.memory_space<semaphore_mem>>
    tpu.enqueue_indirect_dma source(%dma_start3A_40 : memref<512x128xf32, #tpu.memory_space<vmem_shared>>) target(%dma_start3A_35 : memref<64x128xf32, #tpu.memory_space<vmem>>) offsets(%dma_start3A_37 : memref<64xi32, #tpu.memory_space<vmem>>) semaphore(%dma_start3A_42 : memref<!tpu.dma_semaphore, #tpu.memory_space<semaphore_mem>>)
    %dma_start3A_43 = arith.constant 2 : i32
    %dma_start3A_44 = arith.constant 128 : i32
    %dma_start3A_45 = arith.constant 0 : i32
    %dma_start3A_46 = tpu.memref_slice %arg7[%dma_start3A_44, %dma_start3A_45] : memref<512x128xf32, #tpu.memory_space<vmem>> -> memref<64x128xf32, #tpu.memory_space<vmem>>
    %dma_start3A_47 = arith.constant 128 : i32
    %dma_start3A_48 = tpu.memref_slice %arg6[%dma_start3A_47] : memref<512xi32, #tpu.memory_space<vmem>> -> memref<64xi32, #tpu.memory_space<vmem>>
    %dma_start3A_49 = arith.constant 0 : i32
    %dma_start3A_50 = arith.constant 0 : i32
    %dma_start3A_51 = tpu.memref_slice %arg5[%dma_start3A_49, %dma_start3A_50] : memref<512x128xf32, #tpu.memory_space<vmem_shared>> -> memref<512x128xf32, #tpu.memory_space<vmem_shared>>
    %dma_start3A_52 = tpu.memref_slice %arg10[%dma_start3A_43] : memref<8x!tpu.dma_semaphore, #tpu.memory_space<semaphore_mem>> -> memref<1x!tpu.dma_semaphore, #tpu.memory_space<semaphore_mem>>
    %dma_start3A_53 = tpu.memref_squeeze %dma_start3A_52 : memref<1x!tpu.dma_semaphore, #tpu.memory_space<semaphore_mem>> -> memref<!tpu.dma_semaphore, #tpu.memory_space<semaphore_mem>>
    tpu.enqueue_indirect_dma source(%dma_start3A_51 : memref<512x128xf32, #tpu.memory_space<vmem_shared>>) target(%dma_start3A_46 : memref<64x128xf32, #tpu.memory_space<vmem>>) offsets(%dma_start3A_48 : memref<64xi32, #tpu.memory_space<vmem>>) semaphore(%dma_start3A_53 : memref<!tpu.dma_semaphore, #tpu.memory_space<semaphore_mem>>)
    %dma_start3A_54 = arith.constant 3 : i32
    %dma_start3A_55 = arith.constant 192 : i32
    %dma_start3A_56 = arith.constant 0 : i32
    %dma_start3A_57 = tpu.memref_slice %arg7[%dma_start3A_55, %dma_start3A_56] : memref<512x128xf32, #tpu.memory_space<vmem>> -> memref<64x128xf32, #tpu.memory_space<vmem>>
    %dma_start3A_58 = arith.constant 192 : i32
    %dma_start3A_59 = tpu.memref_slice %arg6[%dma_start3A_58] : memref<512xi32, #tpu.memory_space<vmem>> -> memref<64xi32, #tpu.memory_space<vmem>>
    %dma_start3A_60 = arith.constant 0 : i32
    %dma_start3A_61 = arith.constant 0 : i32
    %dma_start3A_62 = tpu.memref_slice %arg5[%dma_start3A_60, %dma_start3A_61] : memref<512x128xf32, #tpu.memory_space<vmem_shared>> -> memref<512x128xf32, #tpu.memory_space<vmem_shared>>
    %dma_start3A_63 = tpu.memref_slice %arg10[%dma_start3A_54] : memref<8x!tpu.dma_semaphore, #tpu.memory_space<semaphore_mem>> -> memref<1x!tpu.dma_semaphore, #tpu.memory_space<semaphore_mem>>
    %dma_start3A_64 = tpu.memref_squeeze %dma_start3A_63 : memref<1x!tpu.dma_semaphore, #tpu.memory_space<semaphore_mem>> -> memref<!tpu.dma_semaphore, #tpu.memory_space<semaphore_mem>>
    tpu.enqueue_indirect_dma source(%dma_start3A_62 : memref<512x128xf32, #tpu.memory_space<vmem_shared>>) target(%dma_start3A_57 : memref<64x128xf32, #tpu.memory_space<vmem>>) offsets(%dma_start3A_59 : memref<64xi32, #tpu.memory_space<vmem>>) semaphore(%dma_start3A_64 : memref<!tpu.dma_semaphore, #tpu.memory_space<semaphore_mem>>)
    %dma_start3A_65 = arith.constant 4 : i32
    %dma_start3A_66 = arith.constant 256 : i32
    %dma_start3A_67 = arith.constant 0 : i32
    %dma_start3A_68 = tpu.memref_slice %arg7[%dma_start3A_66, %dma_start3A_67] : memref<512x128xf32, #tpu.memory_space<vmem>> -> memref<64x128xf32, #tpu.memory_space<vmem>>
    %dma_start3A_69 = arith.constant 256 : i32
    %dma_start3A_70 = tpu.memref_slice %arg6[%dma_start3A_69] : memref<512xi32, #tpu.memory_space<vmem>> -> memref<64xi32, #tpu.memory_space<vmem>>
    %dma_start3A_71 = arith.constant 0 : i32
    %dma_start3A_72 = arith.constant 0 : i32
    %dma_start3A_73 = tpu.memref_slice %arg5[%dma_start3A_71, %dma_start3A_72] : memref<512x128xf32, #tpu.memory_space<vmem_shared>> -> memref<512x128xf32, #tpu.memory_space<vmem_shared>>
    %dma_start3A_74 = tpu.memref_slice %arg10[%dma_start3A_65] : memref<8x!tpu.dma_semaphore, #tpu.memory_space<semaphore_mem>> -> memref<1x!tpu.dma_semaphore, #tpu.memory_space<semaphore_mem>>
    %dma_start3A_75 = tpu.memref_squeeze %dma_start3A_74 : memref<1x!tpu.dma_semaphore, #tpu.memory_space<semaphore_mem>> -> memref<!tpu.dma_semaphore, #tpu.memory_space<semaphore_mem>>
    tpu.enqueue_indirect_dma source(%dma_start3A_73 : memref<512x128xf32, #tpu.memory_space<vmem_shared>>) target(%dma_start3A_68 : memref<64x128xf32, #tpu.memory_space<vmem>>) offsets(%dma_start3A_70 : memref<64xi32, #tpu.memory_space<vmem>>) semaphore(%dma_start3A_75 : memref<!tpu.dma_semaphore, #tpu.memory_space<semaphore_mem>>)
    %dma_start3A_76 = arith.constant 5 : i32
    %dma_start3A_77 = arith.constant 320 : i32
    %dma_start3A_78 = arith.constant 0 : i32
    %dma_start3A_79 = tpu.memref_slice %arg7[%dma_start3A_77, %dma_start3A_78] : memref<512x128xf32, #tpu.memory_space<vmem>> -> memref<64x128xf32, #tpu.memory_space<vmem>>
    %dma_start3A_80 = arith.constant 320 : i32
    %dma_start3A_81 = tpu.memref_slice %arg6[%dma_start3A_80] : memref<512xi32, #tpu.memory_space<vmem>> -> memref<64xi32, #tpu.memory_space<vmem>>
    %dma_start3A_82 = arith.constant 0 : i32
    %dma_start3A_83 = arith.constant 0 : i32
    %dma_start3A_84 = tpu.memref_slice %arg5[%dma_start3A_82, %dma_start3A_83] : memref<512x128xf32, #tpu.memory_space<vmem_shared>> -> memref<512x128xf32, #tpu.memory_space<vmem_shared>>
    %dma_start3A_85 = tpu.memref_slice %arg10[%dma_start3A_76] : memref<8x!tpu.dma_semaphore, #tpu.memory_space<semaphore_mem>> -> memref<1x!tpu.dma_semaphore, #tpu.memory_space<semaphore_mem>>
    %dma_start3A_86 = tpu.memref_squeeze %dma_start3A_85 : memref<1x!tpu.dma_semaphore, #tpu.memory_space<semaphore_mem>> -> memref<!tpu.dma_semaphore, #tpu.memory_space<semaphore_mem>>
    tpu.enqueue_indirect_dma source(%dma_start3A_84 : memref<512x128xf32, #tpu.memory_space<vmem_shared>>) target(%dma_start3A_79 : memref<64x128xf32, #tpu.memory_space<vmem>>) offsets(%dma_start3A_81 : memref<64xi32, #tpu.memory_space<vmem>>) semaphore(%dma_start3A_86 : memref<!tpu.dma_semaphore, #tpu.memory_space<semaphore_mem>>)
    %dma_start3A_87 = arith.constant 6 : i32
    %dma_start3A_88 = arith.constant 384 : i32
    %dma_start3A_89 = arith.constant 0 : i32
    %dma_start3A_90 = tpu.memref_slice %arg7[%dma_start3A_88, %dma_start3A_89] : memref<512x128xf32, #tpu.memory_space<vmem>> -> memref<64x128xf32, #tpu.memory_space<vmem>>
    %dma_start3A_91 = arith.constant 384 : i32
    %dma_start3A_92 = tpu.memref_slice %arg6[%dma_start3A_91] : memref<512xi32, #tpu.memory_space<vmem>> -> memref<64xi32, #tpu.memory_space<vmem>>
    %dma_start3A_93 = arith.constant 0 : i32
    %dma_start3A_94 = arith.constant 0 : i32
    %dma_start3A_95 = tpu.memref_slice %arg5[%dma_start3A_93, %dma_start3A_94] : memref<512x128xf32, #tpu.memory_space<vmem_shared>> -> memref<512x128xf32, #tpu.memory_space<vmem_shared>>
    %dma_start3A_96 = tpu.memref_slice %arg10[%dma_start3A_87] : memref<8x!tpu.dma_semaphore, #tpu.memory_space<semaphore_mem>> -> memref<1x!tpu.dma_semaphore, #tpu.memory_space<semaphore_mem>>
    %dma_start3A_97 = tpu.memref_squeeze %dma_start3A_96 : memref<1x!tpu.dma_semaphore, #tpu.memory_space<semaphore_mem>> -> memref<!tpu.dma_semaphore, #tpu.memory_space<semaphore_mem>>
    tpu.enqueue_indirect_dma source(%dma_start3A_95 : memref<512x128xf32, #tpu.memory_space<vmem_shared>>) target(%dma_start3A_90 : memref<64x128xf32, #tpu.memory_space<vmem>>) offsets(%dma_start3A_92 : memref<64xi32, #tpu.memory_space<vmem>>) semaphore(%dma_start3A_97 : memref<!tpu.dma_semaphore, #tpu.memory_space<semaphore_mem>>)
    %dma_start3A_98 = arith.constant 7 : i32
    %dma_start3A_99 = arith.constant 448 : i32
    %dma_start3A_100 = arith.constant 0 : i32
    %dma_start3A_101 = tpu.memref_slice %arg7[%dma_start3A_99, %dma_start3A_100] : memref<512x128xf32, #tpu.memory_space<vmem>> -> memref<64x128xf32, #tpu.memory_space<vmem>>
    %dma_start3A_102 = arith.constant 448 : i32
    %dma_start3A_103 = tpu.memref_slice %arg6[%dma_start3A_102] : memref<512xi32, #tpu.memory_space<vmem>> -> memref<64xi32, #tpu.memory_space<vmem>>
    %dma_start3A_104 = arith.constant 0 : i32
    %dma_start3A_105 = arith.constant 0 : i32
    %dma_start3A_106 = tpu.memref_slice %arg5[%dma_start3A_104, %dma_start3A_105] : memref<512x128xf32, #tpu.memory_space<vmem_shared>> -> memref<512x128xf32, #tpu.memory_space<vmem_shared>>
    %dma_start3A_107 = tpu.memref_slice %arg10[%dma_start3A_98] : memref<8x!tpu.dma_semaphore, #tpu.memory_space<semaphore_mem>> -> memref<1x!tpu.dma_semaphore, #tpu.memory_space<semaphore_mem>>
    %dma_start3A_108 = tpu.memref_squeeze %dma_start3A_107 : memref<1x!tpu.dma_semaphore, #tpu.memory_space<semaphore_mem>> -> memref<!tpu.dma_semaphore, #tpu.memory_space<semaphore_mem>>
    tpu.enqueue_indirect_dma source(%dma_start3A_106 : memref<512x128xf32, #tpu.memory_space<vmem_shared>>) target(%dma_start3A_101 : memref<64x128xf32, #tpu.memory_space<vmem>>) offsets(%dma_start3A_103 : memref<64xi32, #tpu.memory_space<vmem>>) semaphore(%dma_start3A_108 : memref<!tpu.dma_semaphore, #tpu.memory_space<semaphore_mem>>)
    %dma_wait3A_109 = arith.constant 0 : i32
    %dma_wait3A_110 = arith.constant 0 : i32
    %dma_wait3A_111 = arith.constant 0 : i32
    %dma_wait3A_112 = tpu.memref_slice %arg7[%dma_wait3A_110, %dma_wait3A_111] : memref<512x128xf32, #tpu.memory_space<vmem>> -> memref<64x128xf32, #tpu.memory_space<vmem>>
    %dma_wait3A_113 = arith.constant 0 : i32
    %dma_wait3A_114 = tpu.memref_slice %arg6[%dma_wait3A_113] : memref<512xi32, #tpu.memory_space<vmem>> -> memref<64xi32, #tpu.memory_space<vmem>>
    %dma_wait3A_115 = arith.constant 0 : i32
    %dma_wait3A_116 = arith.constant 0 : i32
    %dma_wait3A_117 = tpu.memref_slice %arg5[%dma_wait3A_115, %dma_wait3A_116] : memref<512x128xf32, #tpu.memory_space<vmem_shared>> -> memref<512x128xf32, #tpu.memory_space<vmem_shared>>
    %dma_wait3A_118 = tpu.memref_slice %arg10[%dma_wait3A_109] : memref<8x!tpu.dma_semaphore, #tpu.memory_space<semaphore_mem>> -> memref<1x!tpu.dma_semaphore, #tpu.memory_space<semaphore_mem>>
    %dma_wait3A_119 = tpu.memref_squeeze %dma_wait3A_118 : memref<1x!tpu.dma_semaphore, #tpu.memory_space<semaphore_mem>> -> memref<!tpu.dma_semaphore, #tpu.memory_space<semaphore_mem>>
    tpu.wait_indirect_dma semaphore(%dma_wait3A_119 : memref<!tpu.dma_semaphore, #tpu.memory_space<semaphore_mem>>) src(%dma_wait3A_117 : memref<512x128xf32, #tpu.memory_space<vmem_shared>>) dst(%dma_wait3A_112 : memref<64x128xf32, #tpu.memory_space<vmem>>)
    %add3A_120 = arith.constant 0 : i32
    %add3A_121 = arith.addi %mul3A_2, %add3A_120 : i32
    %dma_start3A_122 = arith.constant 0 : i32
    %dma_start3A_123 = arith.constant 0 : i32
    %dma_start3A_124 = tpu.memref_slice %arg7[%dma_start3A_122, %dma_start3A_123] : memref<512x128xf32, #tpu.memory_space<vmem>> -> memref<64x128xf32, #tpu.memory_space<vmem>>
    %dma_start3A_125 = arith.constant 0 : i32
    %dma_start3A_126 = tpu.memref_slice %arg4[%add3A_121, %dma_start3A_125] : memref<16384x128xf32, #tpu.memory_space<hbm>> -> memref<64x128xf32, #tpu.memory_space<hbm>>
    %dma_start3A_127 = arith.constant 0 : i32
    %dma_start3A_128 = tpu.memref_slice %arg4[%add3A_121, %dma_start3A_127] : memref<16384x128xf32, #tpu.memory_space<hbm>> -> memref<64x128xf32, #tpu.memory_space<hbm>>
    %dma_start3A_129 = arith.constant 0 : i32
    %dma_start3A_130 = arith.constant 0 : i32
    %dma_start3A_131 = tpu.memref_slice %arg7[%dma_start3A_129, %dma_start3A_130] : memref<512x128xf32, #tpu.memory_space<vmem>> -> memref<64x128xf32, #tpu.memory_space<vmem>>
    tpu.enqueue_dma source(%dma_start3A_131 : memref<64x128xf32, #tpu.memory_space<vmem>>) target(%dma_start3A_128 : memref<64x128xf32, #tpu.memory_space<hbm>>) target_semaphore(%arg11 : memref<!tpu.dma_semaphore, #tpu.memory_space<semaphore_mem>>)
    %dma_wait3A_132 = arith.constant 1 : i32
    %dma_wait3A_133 = arith.constant 64 : i32
    %dma_wait3A_134 = arith.constant 0 : i32
    %dma_wait3A_135 = tpu.memref_slice %arg7[%dma_wait3A_133, %dma_wait3A_134] : memref<512x128xf32, #tpu.memory_space<vmem>> -> memref<64x128xf32, #tpu.memory_space<vmem>>
    %dma_wait3A_136 = arith.constant 64 : i32
    %dma_wait3A_137 = tpu.memref_slice %arg6[%dma_wait3A_136] : memref<512xi32, #tpu.memory_space<vmem>> -> memref<64xi32, #tpu.memory_space<vmem>>
    %dma_wait3A_138 = arith.constant 0 : i32
    %dma_wait3A_139 = arith.constant 0 : i32
    %dma_wait3A_140 = tpu.memref_slice %arg5[%dma_wait3A_138, %dma_wait3A_139] : memref<512x128xf32, #tpu.memory_space<vmem_shared>> -> memref<512x128xf32, #tpu.memory_space<vmem_shared>>
    %dma_wait3A_141 = tpu.memref_slice %arg10[%dma_wait3A_132] : memref<8x!tpu.dma_semaphore, #tpu.memory_space<semaphore_mem>> -> memref<1x!tpu.dma_semaphore, #tpu.memory_space<semaphore_mem>>
    %dma_wait3A_142 = tpu.memref_squeeze %dma_wait3A_141 : memref<1x!tpu.dma_semaphore, #tpu.memory_space<semaphore_mem>> -> memref<!tpu.dma_semaphore, #tpu.memory_space<semaphore_mem>>
    tpu.wait_indirect_dma semaphore(%dma_wait3A_142 : memref<!tpu.dma_semaphore, #tpu.memory_space<semaphore_mem>>) src(%dma_wait3A_140 : memref<512x128xf32, #tpu.memory_space<vmem_shared>>) dst(%dma_wait3A_135 : memref<64x128xf32, #tpu.memory_space<vmem>>)
    %add3A_143 = arith.constant 64 : i32
    %add3A_144 = arith.addi %mul3A_2, %add3A_143 : i32
    %dma_start3A_145 = arith.constant 64 : i32
    %dma_start3A_146 = arith.constant 0 : i32
    %dma_start3A_147 = tpu.memref_slice %arg7[%dma_start3A_145, %dma_start3A_146] : memref<512x128xf32, #tpu.memory_space<vmem>> -> memref<64x128xf32, #tpu.memory_space<vmem>>
    %dma_start3A_148 = arith.constant 0 : i32
    %dma_start3A_149 = tpu.memref_slice %arg4[%add3A_144, %dma_start3A_148] : memref<16384x128xf32, #tpu.memory_space<hbm>> -> memref<64x128xf32, #tpu.memory_space<hbm>>
    %dma_start3A_150 = arith.constant 0 : i32
    %dma_start3A_151 = tpu.memref_slice %arg4[%add3A_144, %dma_start3A_150] : memref<16384x128xf32, #tpu.memory_space<hbm>> -> memref<64x128xf32, #tpu.memory_space<hbm>>
    %dma_start3A_152 = arith.constant 64 : i32
    %dma_start3A_153 = arith.constant 0 : i32
    %dma_start3A_154 = tpu.memref_slice %arg7[%dma_start3A_152, %dma_start3A_153] : memref<512x128xf32, #tpu.memory_space<vmem>> -> memref<64x128xf32, #tpu.memory_space<vmem>>
    tpu.enqueue_dma source(%dma_start3A_154 : memref<64x128xf32, #tpu.memory_space<vmem>>) target(%dma_start3A_151 : memref<64x128xf32, #tpu.memory_space<hbm>>) target_semaphore(%arg11 : memref<!tpu.dma_semaphore, #tpu.memory_space<semaphore_mem>>)
    %dma_wait3A_155 = arith.constant 2 : i32
    %dma_wait3A_156 = arith.constant 128 : i32
    %dma_wait3A_157 = arith.constant 0 : i32
    %dma_wait3A_158 = tpu.memref_slice %arg7[%dma_wait3A_156, %dma_wait3A_157] : memref<512x128xf32, #tpu.memory_space<vmem>> -> memref<64x128xf32, #tpu.memory_space<vmem>>
    %dma_wait3A_159 = arith.constant 128 : i32
    %dma_wait3A_160 = tpu.memref_slice %arg6[%dma_wait3A_159] : memref<512xi32, #tpu.memory_space<vmem>> -> memref<64xi32, #tpu.memory_space<vmem>>
    %dma_wait3A_161 = arith.constant 0 : i32
    %dma_wait3A_162 = arith.constant 0 : i32
    %dma_wait3A_163 = tpu.memref_slice %arg5[%dma_wait3A_161, %dma_wait3A_162] : memref<512x128xf32, #tpu.memory_space<vmem_shared>> -> memref<512x128xf32, #tpu.memory_space<vmem_shared>>
    %dma_wait3A_164 = tpu.memref_slice %arg10[%dma_wait3A_155] : memref<8x!tpu.dma_semaphore, #tpu.memory_space<semaphore_mem>> -> memref<1x!tpu.dma_semaphore, #tpu.memory_space<semaphore_mem>>
    %dma_wait3A_165 = tpu.memref_squeeze %dma_wait3A_164 : memref<1x!tpu.dma_semaphore, #tpu.memory_space<semaphore_mem>> -> memref<!tpu.dma_semaphore, #tpu.memory_space<semaphore_mem>>
    tpu.wait_indirect_dma semaphore(%dma_wait3A_165 : memref<!tpu.dma_semaphore, #tpu.memory_space<semaphore_mem>>) src(%dma_wait3A_163 : memref<512x128xf32, #tpu.memory_space<vmem_shared>>) dst(%dma_wait3A_158 : memref<64x128xf32, #tpu.memory_space<vmem>>)
    %add3A_166 = arith.constant 128 : i32
    %add3A_167 = arith.addi %mul3A_2, %add3A_166 : i32
    %dma_start3A_168 = arith.constant 128 : i32
    %dma_start3A_169 = arith.constant 0 : i32
    %dma_start3A_170 = tpu.memref_slice %arg7[%dma_start3A_168, %dma_start3A_169] : memref<512x128xf32, #tpu.memory_space<vmem>> -> memref<64x128xf32, #tpu.memory_space<vmem>>
    %dma_start3A_171 = arith.constant 0 : i32
    %dma_start3A_172 = tpu.memref_slice %arg4[%add3A_167, %dma_start3A_171] : memref<16384x128xf32, #tpu.memory_space<hbm>> -> memref<64x128xf32, #tpu.memory_space<hbm>>
    %dma_start3A_173 = arith.constant 0 : i32
    %dma_start3A_174 = tpu.memref_slice %arg4[%add3A_167, %dma_start3A_173] : memref<16384x128xf32, #tpu.memory_space<hbm>> -> memref<64x128xf32, #tpu.memory_space<hbm>>
    %dma_start3A_175 = arith.constant 128 : i32
    %dma_start3A_176 = arith.constant 0 : i32
    %dma_start3A_177 = tpu.memref_slice %arg7[%dma_start3A_175, %dma_start3A_176] : memref<512x128xf32, #tpu.memory_space<vmem>> -> memref<64x128xf32, #tpu.memory_space<vmem>>
    tpu.enqueue_dma source(%dma_start3A_177 : memref<64x128xf32, #tpu.memory_space<vmem>>) target(%dma_start3A_174 : memref<64x128xf32, #tpu.memory_space<hbm>>) target_semaphore(%arg11 : memref<!tpu.dma_semaphore, #tpu.memory_space<semaphore_mem>>)
    %dma_wait3A_178 = arith.constant 3 : i32
    %dma_wait3A_179 = arith.constant 192 : i32
    %dma_wait3A_180 = arith.constant 0 : i32
    %dma_wait3A_181 = tpu.memref_slice %arg7[%dma_wait3A_179, %dma_wait3A_180] : memref<512x128xf32, #tpu.memory_space<vmem>> -> memref<64x128xf32, #tpu.memory_space<vmem>>
    %dma_wait3A_182 = arith.constant 192 : i32
    %dma_wait3A_183 = tpu.memref_slice %arg6[%dma_wait3A_182] : memref<512xi32, #tpu.memory_space<vmem>> -> memref<64xi32, #tpu.memory_space<vmem>>
    %dma_wait3A_184 = arith.constant 0 : i32
    %dma_wait3A_185 = arith.constant 0 : i32
    %dma_wait3A_186 = tpu.memref_slice %arg5[%dma_wait3A_184, %dma_wait3A_185] : memref<512x128xf32, #tpu.memory_space<vmem_shared>> -> memref<512x128xf32, #tpu.memory_space<vmem_shared>>
    %dma_wait3A_187 = tpu.memref_slice %arg10[%dma_wait3A_178] : memref<8x!tpu.dma_semaphore, #tpu.memory_space<semaphore_mem>> -> memref<1x!tpu.dma_semaphore, #tpu.memory_space<semaphore_mem>>
    %dma_wait3A_188 = tpu.memref_squeeze %dma_wait3A_187 : memref<1x!tpu.dma_semaphore, #tpu.memory_space<semaphore_mem>> -> memref<!tpu.dma_semaphore, #tpu.memory_space<semaphore_mem>>
    tpu.wait_indirect_dma semaphore(%dma_wait3A_188 : memref<!tpu.dma_semaphore, #tpu.memory_space<semaphore_mem>>) src(%dma_wait3A_186 : memref<512x128xf32, #tpu.memory_space<vmem_shared>>) dst(%dma_wait3A_181 : memref<64x128xf32, #tpu.memory_space<vmem>>)
    %add3A_189 = arith.constant 192 : i32
    %add3A_190 = arith.addi %mul3A_2, %add3A_189 : i32
    %dma_start3A_191 = arith.constant 192 : i32
    %dma_start3A_192 = arith.constant 0 : i32
    %dma_start3A_193 = tpu.memref_slice %arg7[%dma_start3A_191, %dma_start3A_192] : memref<512x128xf32, #tpu.memory_space<vmem>> -> memref<64x128xf32, #tpu.memory_space<vmem>>
    %dma_start3A_194 = arith.constant 0 : i32
    %dma_start3A_195 = tpu.memref_slice %arg4[%add3A_190, %dma_start3A_194] : memref<16384x128xf32, #tpu.memory_space<hbm>> -> memref<64x128xf32, #tpu.memory_space<hbm>>
    %dma_start3A_196 = arith.constant 0 : i32
    %dma_start3A_197 = tpu.memref_slice %arg4[%add3A_190, %dma_start3A_196] : memref<16384x128xf32, #tpu.memory_space<hbm>> -> memref<64x128xf32, #tpu.memory_space<hbm>>
    %dma_start3A_198 = arith.constant 192 : i32
    %dma_start3A_199 = arith.constant 0 : i32
    %dma_start3A_200 = tpu.memref_slice %arg7[%dma_start3A_198, %dma_start3A_199] : memref<512x128xf32, #tpu.memory_space<vmem>> -> memref<64x128xf32, #tpu.memory_space<vmem>>
    tpu.enqueue_dma source(%dma_start3A_200 : memref<64x128xf32, #tpu.memory_space<vmem>>) target(%dma_start3A_197 : memref<64x128xf32, #tpu.memory_space<hbm>>) target_semaphore(%arg11 : memref<!tpu.dma_semaphore, #tpu.memory_space<semaphore_mem>>)
    %dma_wait3A_201 = arith.constant 4 : i32
    %dma_wait3A_202 = arith.constant 256 : i32
    %dma_wait3A_203 = arith.constant 0 : i32
    %dma_wait3A_204 = tpu.memref_slice %arg7[%dma_wait3A_202, %dma_wait3A_203] : memref<512x128xf32, #tpu.memory_space<vmem>> -> memref<64x128xf32, #tpu.memory_space<vmem>>
    %dma_wait3A_205 = arith.constant 256 : i32
    %dma_wait3A_206 = tpu.memref_slice %arg6[%dma_wait3A_205] : memref<512xi32, #tpu.memory_space<vmem>> -> memref<64xi32, #tpu.memory_space<vmem>>
    %dma_wait3A_207 = arith.constant 0 : i32
    %dma_wait3A_208 = arith.constant 0 : i32
    %dma_wait3A_209 = tpu.memref_slice %arg5[%dma_wait3A_207, %dma_wait3A_208] : memref<512x128xf32, #tpu.memory_space<vmem_shared>> -> memref<512x128xf32, #tpu.memory_space<vmem_shared>>
    %dma_wait3A_210 = tpu.memref_slice %arg10[%dma_wait3A_201] : memref<8x!tpu.dma_semaphore, #tpu.memory_space<semaphore_mem>> -> memref<1x!tpu.dma_semaphore, #tpu.memory_space<semaphore_mem>>
    %dma_wait3A_211 = tpu.memref_squeeze %dma_wait3A_210 : memref<1x!tpu.dma_semaphore, #tpu.memory_space<semaphore_mem>> -> memref<!tpu.dma_semaphore, #tpu.memory_space<semaphore_mem>>
    tpu.wait_indirect_dma semaphore(%dma_wait3A_211 : memref<!tpu.dma_semaphore, #tpu.memory_space<semaphore_mem>>) src(%dma_wait3A_209 : memref<512x128xf32, #tpu.memory_space<vmem_shared>>) dst(%dma_wait3A_204 : memref<64x128xf32, #tpu.memory_space<vmem>>)
    %add3A_212 = arith.constant 256 : i32
    %add3A_213 = arith.addi %mul3A_2, %add3A_212 : i32
    %dma_start3A_214 = arith.constant 256 : i32
    %dma_start3A_215 = arith.constant 0 : i32
    %dma_start3A_216 = tpu.memref_slice %arg7[%dma_start3A_214, %dma_start3A_215] : memref<512x128xf32, #tpu.memory_space<vmem>> -> memref<64x128xf32, #tpu.memory_space<vmem>>
    %dma_start3A_217 = arith.constant 0 : i32
    %dma_start3A_218 = tpu.memref_slice %arg4[%add3A_213, %dma_start3A_217] : memref<16384x128xf32, #tpu.memory_space<hbm>> -> memref<64x128xf32, #tpu.memory_space<hbm>>
    %dma_start3A_219 = arith.constant 0 : i32
    %dma_start3A_220 = tpu.memref_slice %arg4[%add3A_213, %dma_start3A_219] : memref<16384x128xf32, #tpu.memory_space<hbm>> -> memref<64x128xf32, #tpu.memory_space<hbm>>
    %dma_start3A_221 = arith.constant 256 : i32
    %dma_start3A_222 = arith.constant 0 : i32
    %dma_start3A_223 = tpu.memref_slice %arg7[%dma_start3A_221, %dma_start3A_222] : memref<512x128xf32, #tpu.memory_space<vmem>> -> memref<64x128xf32, #tpu.memory_space<vmem>>
    tpu.enqueue_dma source(%dma_start3A_223 : memref<64x128xf32, #tpu.memory_space<vmem>>) target(%dma_start3A_220 : memref<64x128xf32, #tpu.memory_space<hbm>>) target_semaphore(%arg11 : memref<!tpu.dma_semaphore, #tpu.memory_space<semaphore_mem>>)
    %dma_wait3A_224 = arith.constant 5 : i32
    %dma_wait3A_225 = arith.constant 320 : i32
    %dma_wait3A_226 = arith.constant 0 : i32
    %dma_wait3A_227 = tpu.memref_slice %arg7[%dma_wait3A_225, %dma_wait3A_226] : memref<512x128xf32, #tpu.memory_space<vmem>> -> memref<64x128xf32, #tpu.memory_space<vmem>>
    %dma_wait3A_228 = arith.constant 320 : i32
    %dma_wait3A_229 = tpu.memref_slice %arg6[%dma_wait3A_228] : memref<512xi32, #tpu.memory_space<vmem>> -> memref<64xi32, #tpu.memory_space<vmem>>
    %dma_wait3A_230 = arith.constant 0 : i32
    %dma_wait3A_231 = arith.constant 0 : i32
    %dma_wait3A_232 = tpu.memref_slice %arg5[%dma_wait3A_230, %dma_wait3A_231] : memref<512x128xf32, #tpu.memory_space<vmem_shared>> -> memref<512x128xf32, #tpu.memory_space<vmem_shared>>
    %dma_wait3A_233 = tpu.memref_slice %arg10[%dma_wait3A_224] : memref<8x!tpu.dma_semaphore, #tpu.memory_space<semaphore_mem>> -> memref<1x!tpu.dma_semaphore, #tpu.memory_space<semaphore_mem>>
    %dma_wait3A_234 = tpu.memref_squeeze %dma_wait3A_233 : memref<1x!tpu.dma_semaphore, #tpu.memory_space<semaphore_mem>> -> memref<!tpu.dma_semaphore, #tpu.memory_space<semaphore_mem>>
    tpu.wait_indirect_dma semaphore(%dma_wait3A_234 : memref<!tpu.dma_semaphore, #tpu.memory_space<semaphore_mem>>) src(%dma_wait3A_232 : memref<512x128xf32, #tpu.memory_space<vmem_shared>>) dst(%dma_wait3A_227 : memref<64x128xf32, #tpu.memory_space<vmem>>)
    %add3A_235 = arith.constant 320 : i32
    %add3A_236 = arith.addi %mul3A_2, %add3A_235 : i32
    %dma_start3A_237 = arith.constant 320 : i32
    %dma_start3A_238 = arith.constant 0 : i32
    %dma_start3A_239 = tpu.memref_slice %arg7[%dma_start3A_237, %dma_start3A_238] : memref<512x128xf32, #tpu.memory_space<vmem>> -> memref<64x128xf32, #tpu.memory_space<vmem>>
    %dma_start3A_240 = arith.constant 0 : i32
    %dma_start3A_241 = tpu.memref_slice %arg4[%add3A_236, %dma_start3A_240] : memref<16384x128xf32, #tpu.memory_space<hbm>> -> memref<64x128xf32, #tpu.memory_space<hbm>>
    %dma_start3A_242 = arith.constant 0 : i32
    %dma_start3A_243 = tpu.memref_slice %arg4[%add3A_236, %dma_start3A_242] : memref<16384x128xf32, #tpu.memory_space<hbm>> -> memref<64x128xf32, #tpu.memory_space<hbm>>
    %dma_start3A_244 = arith.constant 320 : i32
    %dma_start3A_245 = arith.constant 0 : i32
    %dma_start3A_246 = tpu.memref_slice %arg7[%dma_start3A_244, %dma_start3A_245] : memref<512x128xf32, #tpu.memory_space<vmem>> -> memref<64x128xf32, #tpu.memory_space<vmem>>
    tpu.enqueue_dma source(%dma_start3A_246 : memref<64x128xf32, #tpu.memory_space<vmem>>) target(%dma_start3A_243 : memref<64x128xf32, #tpu.memory_space<hbm>>) target_semaphore(%arg11 : memref<!tpu.dma_semaphore, #tpu.memory_space<semaphore_mem>>)
    %dma_wait3A_247 = arith.constant 6 : i32
    %dma_wait3A_248 = arith.constant 384 : i32
    %dma_wait3A_249 = arith.constant 0 : i32
    %dma_wait3A_250 = tpu.memref_slice %arg7[%dma_wait3A_248, %dma_wait3A_249] : memref<512x128xf32, #tpu.memory_space<vmem>> -> memref<64x128xf32, #tpu.memory_space<vmem>>
    %dma_wait3A_251 = arith.constant 384 : i32
    %dma_wait3A_252 = tpu.memref_slice %arg6[%dma_wait3A_251] : memref<512xi32, #tpu.memory_space<vmem>> -> memref<64xi32, #tpu.memory_space<vmem>>
    %dma_wait3A_253 = arith.constant 0 : i32
    %dma_wait3A_254 = arith.constant 0 : i32
    %dma_wait3A_255 = tpu.memref_slice %arg5[%dma_wait3A_253, %dma_wait3A_254] : memref<512x128xf32, #tpu.memory_space<vmem_shared>> -> memref<512x128xf32, #tpu.memory_space<vmem_shared>>
    %dma_wait3A_256 = tpu.memref_slice %arg10[%dma_wait3A_247] : memref<8x!tpu.dma_semaphore, #tpu.memory_space<semaphore_mem>> -> memref<1x!tpu.dma_semaphore, #tpu.memory_space<semaphore_mem>>
    %dma_wait3A_257 = tpu.memref_squeeze %dma_wait3A_256 : memref<1x!tpu.dma_semaphore, #tpu.memory_space<semaphore_mem>> -> memref<!tpu.dma_semaphore, #tpu.memory_space<semaphore_mem>>
    tpu.wait_indirect_dma semaphore(%dma_wait3A_257 : memref<!tpu.dma_semaphore, #tpu.memory_space<semaphore_mem>>) src(%dma_wait3A_255 : memref<512x128xf32, #tpu.memory_space<vmem_shared>>) dst(%dma_wait3A_250 : memref<64x128xf32, #tpu.memory_space<vmem>>)
    %add3A_258 = arith.constant 384 : i32
    %add3A_259 = arith.addi %mul3A_2, %add3A_258 : i32
    %dma_start3A_260 = arith.constant 384 : i32
    %dma_start3A_261 = arith.constant 0 : i32
    %dma_start3A_262 = tpu.memref_slice %arg7[%dma_start3A_260, %dma_start3A_261] : memref<512x128xf32, #tpu.memory_space<vmem>> -> memref<64x128xf32, #tpu.memory_space<vmem>>
    %dma_start3A_263 = arith.constant 0 : i32
    %dma_start3A_264 = tpu.memref_slice %arg4[%add3A_259, %dma_start3A_263] : memref<16384x128xf32, #tpu.memory_space<hbm>> -> memref<64x128xf32, #tpu.memory_space<hbm>>
    %dma_start3A_265 = arith.constant 0 : i32
    %dma_start3A_266 = tpu.memref_slice %arg4[%add3A_259, %dma_start3A_265] : memref<16384x128xf32, #tpu.memory_space<hbm>> -> memref<64x128xf32, #tpu.memory_space<hbm>>
    %dma_start3A_267 = arith.constant 384 : i32
    %dma_start3A_268 = arith.constant 0 : i32
    %dma_start3A_269 = tpu.memref_slice %arg7[%dma_start3A_267, %dma_start3A_268] : memref<512x128xf32, #tpu.memory_space<vmem>> -> memref<64x128xf32, #tpu.memory_space<vmem>>
    tpu.enqueue_dma source(%dma_start3A_269 : memref<64x128xf32, #tpu.memory_space<vmem>>) target(%dma_start3A_266 : memref<64x128xf32, #tpu.memory_space<hbm>>) target_semaphore(%arg11 : memref<!tpu.dma_semaphore, #tpu.memory_space<semaphore_mem>>)
    %dma_wait3A_270 = arith.constant 7 : i32
    %dma_wait3A_271 = arith.constant 448 : i32
    %dma_wait3A_272 = arith.constant 0 : i32
    %dma_wait3A_273 = tpu.memref_slice %arg7[%dma_wait3A_271, %dma_wait3A_272] : memref<512x128xf32, #tpu.memory_space<vmem>> -> memref<64x128xf32, #tpu.memory_space<vmem>>
    %dma_wait3A_274 = arith.constant 448 : i32
    %dma_wait3A_275 = tpu.memref_slice %arg6[%dma_wait3A_274] : memref<512xi32, #tpu.memory_space<vmem>> -> memref<64xi32, #tpu.memory_space<vmem>>
    %dma_wait3A_276 = arith.constant 0 : i32
    %dma_wait3A_277 = arith.constant 0 : i32
    %dma_wait3A_278 = tpu.memref_slice %arg5[%dma_wait3A_276, %dma_wait3A_277] : memref<512x128xf32, #tpu.memory_space<vmem_shared>> -> memref<512x128xf32, #tpu.memory_space<vmem_shared>>
    %dma_wait3A_279 = tpu.memref_slice %arg10[%dma_wait3A_270] : memref<8x!tpu.dma_semaphore, #tpu.memory_space<semaphore_mem>> -> memref<1x!tpu.dma_semaphore, #tpu.memory_space<semaphore_mem>>
    %dma_wait3A_280 = tpu.memref_squeeze %dma_wait3A_279 : memref<1x!tpu.dma_semaphore, #tpu.memory_space<semaphore_mem>> -> memref<!tpu.dma_semaphore, #tpu.memory_space<semaphore_mem>>
    tpu.wait_indirect_dma semaphore(%dma_wait3A_280 : memref<!tpu.dma_semaphore, #tpu.memory_space<semaphore_mem>>) src(%dma_wait3A_278 : memref<512x128xf32, #tpu.memory_space<vmem_shared>>) dst(%dma_wait3A_273 : memref<64x128xf32, #tpu.memory_space<vmem>>)
    %add3A_281 = arith.constant 448 : i32
    %add3A_282 = arith.addi %mul3A_2, %add3A_281 : i32
    %dma_start3A_283 = arith.constant 448 : i32
    %dma_start3A_284 = arith.constant 0 : i32
    %dma_start3A_285 = tpu.memref_slice %arg7[%dma_start3A_283, %dma_start3A_284] : memref<512x128xf32, #tpu.memory_space<vmem>> -> memref<64x128xf32, #tpu.memory_space<vmem>>
    %dma_start3A_286 = arith.constant 0 : i32
    %dma_start3A_287 = tpu.memref_slice %arg4[%add3A_282, %dma_start3A_286] : memref<16384x128xf32, #tpu.memory_space<hbm>> -> memref<64x128xf32, #tpu.memory_space<hbm>>
    %dma_start3A_288 = arith.constant 0 : i32
    %dma_start3A_289 = tpu.memref_slice %arg4[%add3A_282, %dma_start3A_288] : memref<16384x128xf32, #tpu.memory_space<hbm>> -> memref<64x128xf32, #tpu.memory_space<hbm>>
    %dma_start3A_290 = arith.constant 448 : i32
    %dma_start3A_291 = arith.constant 0 : i32
    %dma_start3A_292 = tpu.memref_slice %arg7[%dma_start3A_290, %dma_start3A_291] : memref<512x128xf32, #tpu.memory_space<vmem>> -> memref<64x128xf32, #tpu.memory_space<vmem>>
    tpu.enqueue_dma source(%dma_start3A_292 : memref<64x128xf32, #tpu.memory_space<vmem>>) target(%dma_start3A_289 : memref<64x128xf32, #tpu.memory_space<hbm>>) target_semaphore(%arg11 : memref<!tpu.dma_semaphore, #tpu.memory_space<semaphore_mem>>)
    %add3A_293 = arith.constant 0 : i32
    %add3A_294 = arith.addi %mul3A_2, %add3A_293 : i32
    %dma_wait3A_295 = arith.constant 0 : i32
    %dma_wait3A_296 = arith.constant 0 : i32
    %dma_wait3A_297 = tpu.memref_slice %arg7[%dma_wait3A_295, %dma_wait3A_296] : memref<512x128xf32, #tpu.memory_space<vmem>> -> memref<64x128xf32, #tpu.memory_space<vmem>>
    %dma_wait3A_298 = arith.constant 0 : i32
    %dma_wait3A_299 = tpu.memref_slice %arg4[%add3A_294, %dma_wait3A_298] : memref<16384x128xf32, #tpu.memory_space<hbm>> -> memref<64x128xf32, #tpu.memory_space<hbm>>
    %dma_wait3A_300 = arith.constant 0 : i32
    %dma_wait3A_301 = tpu.memref_slice %arg4[%add3A_294, %dma_wait3A_300] : memref<16384x128xf32, #tpu.memory_space<hbm>> -> memref<64x128xf32, #tpu.memory_space<hbm>>
    %dma_wait3A_302 = arith.constant 0 : i32
    %dma_wait3A_303 = arith.constant 0 : i32
    %dma_wait3A_304 = tpu.memref_slice %arg7[%dma_wait3A_302, %dma_wait3A_303] : memref<512x128xf32, #tpu.memory_space<vmem>> -> memref<64x128xf32, #tpu.memory_space<vmem>>
    tpu.wait_dma2 semaphore(%arg11 : memref<!tpu.dma_semaphore, #tpu.memory_space<semaphore_mem>>) src(%dma_wait3A_304 : memref<64x128xf32, #tpu.memory_space<vmem>>) dst(%dma_wait3A_301 : memref<64x128xf32, #tpu.memory_space<hbm>>)
    %add3A_305 = arith.constant 64 : i32
    %add3A_306 = arith.addi %mul3A_2, %add3A_305 : i32
    %dma_wait3A_307 = arith.constant 64 : i32
    %dma_wait3A_308 = arith.constant 0 : i32
    %dma_wait3A_309 = tpu.memref_slice %arg7[%dma_wait3A_307, %dma_wait3A_308] : memref<512x128xf32, #tpu.memory_space<vmem>> -> memref<64x128xf32, #tpu.memory_space<vmem>>
    %dma_wait3A_310 = arith.constant 0 : i32
    %dma_wait3A_311 = tpu.memref_slice %arg4[%add3A_306, %dma_wait3A_310] : memref<16384x128xf32, #tpu.memory_space<hbm>> -> memref<64x128xf32, #tpu.memory_space<hbm>>
    %dma_wait3A_312 = arith.constant 0 : i32
    %dma_wait3A_313 = tpu.memref_slice %arg4[%add3A_306, %dma_wait3A_312] : memref<16384x128xf32, #tpu.memory_space<hbm>> -> memref<64x128xf32, #tpu.memory_space<hbm>>
    %dma_wait3A_314 = arith.constant 64 : i32
    %dma_wait3A_315 = arith.constant 0 : i32
    %dma_wait3A_316 = tpu.memref_slice %arg7[%dma_wait3A_314, %dma_wait3A_315] : memref<512x128xf32, #tpu.memory_space<vmem>> -> memref<64x128xf32, #tpu.memory_space<vmem>>
    tpu.wait_dma2 semaphore(%arg11 : memref<!tpu.dma_semaphore, #tpu.memory_space<semaphore_mem>>) src(%dma_wait3A_316 : memref<64x128xf32, #tpu.memory_space<vmem>>) dst(%dma_wait3A_313 : memref<64x128xf32, #tpu.memory_space<hbm>>)
    %add3A_317 = arith.constant 128 : i32
    %add3A_318 = arith.addi %mul3A_2, %add3A_317 : i32
    %dma_wait3A_319 = arith.constant 128 : i32
    %dma_wait3A_320 = arith.constant 0 : i32
    %dma_wait3A_321 = tpu.memref_slice %arg7[%dma_wait3A_319, %dma_wait3A_320] : memref<512x128xf32, #tpu.memory_space<vmem>> -> memref<64x128xf32, #tpu.memory_space<vmem>>
    %dma_wait3A_322 = arith.constant 0 : i32
    %dma_wait3A_323 = tpu.memref_slice %arg4[%add3A_318, %dma_wait3A_322] : memref<16384x128xf32, #tpu.memory_space<hbm>> -> memref<64x128xf32, #tpu.memory_space<hbm>>
    %dma_wait3A_324 = arith.constant 0 : i32
    %dma_wait3A_325 = tpu.memref_slice %arg4[%add3A_318, %dma_wait3A_324] : memref<16384x128xf32, #tpu.memory_space<hbm>> -> memref<64x128xf32, #tpu.memory_space<hbm>>
    %dma_wait3A_326 = arith.constant 128 : i32
    %dma_wait3A_327 = arith.constant 0 : i32
    %dma_wait3A_328 = tpu.memref_slice %arg7[%dma_wait3A_326, %dma_wait3A_327] : memref<512x128xf32, #tpu.memory_space<vmem>> -> memref<64x128xf32, #tpu.memory_space<vmem>>
    tpu.wait_dma2 semaphore(%arg11 : memref<!tpu.dma_semaphore, #tpu.memory_space<semaphore_mem>>) src(%dma_wait3A_328 : memref<64x128xf32, #tpu.memory_space<vmem>>) dst(%dma_wait3A_325 : memref<64x128xf32, #tpu.memory_space<hbm>>)
    %add3A_329 = arith.constant 192 : i32
    %add3A_330 = arith.addi %mul3A_2, %add3A_329 : i32
    %dma_wait3A_331 = arith.constant 192 : i32
    %dma_wait3A_332 = arith.constant 0 : i32
    %dma_wait3A_333 = tpu.memref_slice %arg7[%dma_wait3A_331, %dma_wait3A_332] : memref<512x128xf32, #tpu.memory_space<vmem>> -> memref<64x128xf32, #tpu.memory_space<vmem>>
    %dma_wait3A_334 = arith.constant 0 : i32
    %dma_wait3A_335 = tpu.memref_slice %arg4[%add3A_330, %dma_wait3A_334] : memref<16384x128xf32, #tpu.memory_space<hbm>> -> memref<64x128xf32, #tpu.memory_space<hbm>>
    %dma_wait3A_336 = arith.constant 0 : i32
    %dma_wait3A_337 = tpu.memref_slice %arg4[%add3A_330, %dma_wait3A_336] : memref<16384x128xf32, #tpu.memory_space<hbm>> -> memref<64x128xf32, #tpu.memory_space<hbm>>
    %dma_wait3A_338 = arith.constant 192 : i32
    %dma_wait3A_339 = arith.constant 0 : i32
    %dma_wait3A_340 = tpu.memref_slice %arg7[%dma_wait3A_338, %dma_wait3A_339] : memref<512x128xf32, #tpu.memory_space<vmem>> -> memref<64x128xf32, #tpu.memory_space<vmem>>
    tpu.wait_dma2 semaphore(%arg11 : memref<!tpu.dma_semaphore, #tpu.memory_space<semaphore_mem>>) src(%dma_wait3A_340 : memref<64x128xf32, #tpu.memory_space<vmem>>) dst(%dma_wait3A_337 : memref<64x128xf32, #tpu.memory_space<hbm>>)
    %add3A_341 = arith.constant 256 : i32
    %add3A_342 = arith.addi %mul3A_2, %add3A_341 : i32
    %dma_wait3A_343 = arith.constant 256 : i32
    %dma_wait3A_344 = arith.constant 0 : i32
    %dma_wait3A_345 = tpu.memref_slice %arg7[%dma_wait3A_343, %dma_wait3A_344] : memref<512x128xf32, #tpu.memory_space<vmem>> -> memref<64x128xf32, #tpu.memory_space<vmem>>
    %dma_wait3A_346 = arith.constant 0 : i32
    %dma_wait3A_347 = tpu.memref_slice %arg4[%add3A_342, %dma_wait3A_346] : memref<16384x128xf32, #tpu.memory_space<hbm>> -> memref<64x128xf32, #tpu.memory_space<hbm>>
    %dma_wait3A_348 = arith.constant 0 : i32
    %dma_wait3A_349 = tpu.memref_slice %arg4[%add3A_342, %dma_wait3A_348] : memref<16384x128xf32, #tpu.memory_space<hbm>> -> memref<64x128xf32, #tpu.memory_space<hbm>>
    %dma_wait3A_350 = arith.constant 256 : i32
    %dma_wait3A_351 = arith.constant 0 : i32
    %dma_wait3A_352 = tpu.memref_slice %arg7[%dma_wait3A_350, %dma_wait3A_351] : memref<512x128xf32, #tpu.memory_space<vmem>> -> memref<64x128xf32, #tpu.memory_space<vmem>>
    tpu.wait_dma2 semaphore(%arg11 : memref<!tpu.dma_semaphore, #tpu.memory_space<semaphore_mem>>) src(%dma_wait3A_352 : memref<64x128xf32, #tpu.memory_space<vmem>>) dst(%dma_wait3A_349 : memref<64x128xf32, #tpu.memory_space<hbm>>)
    %add3A_353 = arith.constant 320 : i32
    %add3A_354 = arith.addi %mul3A_2, %add3A_353 : i32
    %dma_wait3A_355 = arith.constant 320 : i32
    %dma_wait3A_356 = arith.constant 0 : i32
    %dma_wait3A_357 = tpu.memref_slice %arg7[%dma_wait3A_355, %dma_wait3A_356] : memref<512x128xf32, #tpu.memory_space<vmem>> -> memref<64x128xf32, #tpu.memory_space<vmem>>
    %dma_wait3A_358 = arith.constant 0 : i32
    %dma_wait3A_359 = tpu.memref_slice %arg4[%add3A_354, %dma_wait3A_358] : memref<16384x128xf32, #tpu.memory_space<hbm>> -> memref<64x128xf32, #tpu.memory_space<hbm>>
    %dma_wait3A_360 = arith.constant 0 : i32
    %dma_wait3A_361 = tpu.memref_slice %arg4[%add3A_354, %dma_wait3A_360] : memref<16384x128xf32, #tpu.memory_space<hbm>> -> memref<64x128xf32, #tpu.memory_space<hbm>>
    %dma_wait3A_362 = arith.constant 320 : i32
    %dma_wait3A_363 = arith.constant 0 : i32
    %dma_wait3A_364 = tpu.memref_slice %arg7[%dma_wait3A_362, %dma_wait3A_363] : memref<512x128xf32, #tpu.memory_space<vmem>> -> memref<64x128xf32, #tpu.memory_space<vmem>>
    tpu.wait_dma2 semaphore(%arg11 : memref<!tpu.dma_semaphore, #tpu.memory_space<semaphore_mem>>) src(%dma_wait3A_364 : memref<64x128xf32, #tpu.memory_space<vmem>>) dst(%dma_wait3A_361 : memref<64x128xf32, #tpu.memory_space<hbm>>)
    %add3A_365 = arith.constant 384 : i32
    %add3A_366 = arith.addi %mul3A_2, %add3A_365 : i32
    %dma_wait3A_367 = arith.constant 384 : i32
    %dma_wait3A_368 = arith.constant 0 : i32
    %dma_wait3A_369 = tpu.memref_slice %arg7[%dma_wait3A_367, %dma_wait3A_368] : memref<512x128xf32, #tpu.memory_space<vmem>> -> memref<64x128xf32, #tpu.memory_space<vmem>>
    %dma_wait3A_370 = arith.constant 0 : i32
    %dma_wait3A_371 = tpu.memref_slice %arg4[%add3A_366, %dma_wait3A_370] : memref<16384x128xf32, #tpu.memory_space<hbm>> -> memref<64x128xf32, #tpu.memory_space<hbm>>
    %dma_wait3A_372 = arith.constant 0 : i32
    %dma_wait3A_373 = tpu.memref_slice %arg4[%add3A_366, %dma_wait3A_372] : memref<16384x128xf32, #tpu.memory_space<hbm>> -> memref<64x128xf32, #tpu.memory_space<hbm>>
    %dma_wait3A_374 = arith.constant 384 : i32
    %dma_wait3A_375 = arith.constant 0 : i32
    %dma_wait3A_376 = tpu.memref_slice %arg7[%dma_wait3A_374, %dma_wait3A_375] : memref<512x128xf32, #tpu.memory_space<vmem>> -> memref<64x128xf32, #tpu.memory_space<vmem>>
    tpu.wait_dma2 semaphore(%arg11 : memref<!tpu.dma_semaphore, #tpu.memory_space<semaphore_mem>>) src(%dma_wait3A_376 : memref<64x128xf32, #tpu.memory_space<vmem>>) dst(%dma_wait3A_373 : memref<64x128xf32, #tpu.memory_space<hbm>>)
    %add3A_377 = arith.constant 448 : i32
    %add3A_378 = arith.addi %mul3A_2, %add3A_377 : i32
    %dma_wait3A_379 = arith.constant 448 : i32
    %dma_wait3A_380 = arith.constant 0 : i32
    %dma_wait3A_381 = tpu.memref_slice %arg7[%dma_wait3A_379, %dma_wait3A_380] : memref<512x128xf32, #tpu.memory_space<vmem>> -> memref<64x128xf32, #tpu.memory_space<vmem>>
    %dma_wait3A_382 = arith.constant 0 : i32
    %dma_wait3A_383 = tpu.memref_slice %arg4[%add3A_378, %dma_wait3A_382] : memref<16384x128xf32, #tpu.memory_space<hbm>> -> memref<64x128xf32, #tpu.memory_space<hbm>>
    %dma_wait3A_384 = arith.constant 0 : i32
    %dma_wait3A_385 = tpu.memref_slice %arg4[%add3A_378, %dma_wait3A_384] : memref<16384x128xf32, #tpu.memory_space<hbm>> -> memref<64x128xf32, #tpu.memory_space<hbm>>
    %dma_wait3A_386 = arith.constant 448 : i32
    %dma_wait3A_387 = arith.constant 0 : i32
    %dma_wait3A_388 = tpu.memref_slice %arg7[%dma_wait3A_386, %dma_wait3A_387] : memref<512x128xf32, #tpu.memory_space<vmem>> -> memref<64x128xf32, #tpu.memory_space<vmem>>
    tpu.wait_dma2 semaphore(%arg11 : memref<!tpu.dma_semaphore, #tpu.memory_space<semaphore_mem>>) src(%dma_wait3A_388 : memref<64x128xf32, #tpu.memory_space<vmem>>) dst(%dma_wait3A_385 : memref<64x128xf32, #tpu.memory_space<hbm>>)
    return
  }
}

</mosaic_0001>

<sc_bundles>
// kernel: kernel.3.cloned.1.call-start
scs
__scs_entry_jumppad:
0x0: {  	(pc) =	sbr.rel $0x88, $3  }
0x1: {  	(tag) =	ssettag $0x0;
	lr =	simm.s32 $0x1  }
0x2: {  	[smem:$0x3F9F] =	sst lr;
	_ =	strace $0xD0000000  }
0x3: {  	_ = 	snop  }
0x4: {  	_ = 	snop  }
0x5: {  	_ = 	snop  }
0x6: {  	_ = 	snop  }
0x7: {  	_ = 	snop  }
__scs_overlays_trampoline_lowered:
0x8: {  	[smem:$0x3FAE] =	sst s0  }
0x9: {  	[smem:$0x3FAF] =	sst s1  }
0xa: {  	[smem:$0x3FB0] =	sst s2  }
0xb: {  	[smem:$0x3FB1] =	sst s3  }
0xc: {  	[smem:$0x3FB2] =	sst s4  }
0xd: {  	[smem:$0x3FB3] =	sst s5  }
0xe: {  	[smem:$0x3FB4] =	sst s6  }
0xf: {  	[smem:$0x3FB5] =	sst s7  }
0x10: {  	[smem:$0x3FB6] =	sst s8  }
0x11: {  	[smem:$0x3FB7] =	sst s9;
	s0 =	simm.s32 @!p0 $0x0  }
0x12: {  	s1 =	sld [smem:$0x3F9D];
	s0 =	simm.s32 @p0 $0x1  }
0x13: {  	[smem:$0x3FB8] =	sst s0;
	s0 =	simm.s32 @!p1 $0x0  }
0x14: {  	s2 =	sld [smem:$0x3F9C];
	s0 =	simm.s32 @p1 $0x1  }
0x15: {  	[smem:$0x3FB9] =	sst s0;
	s0 =	simm.s32 @!p2 $0x0  }
0x16: {  	s3 =	sld [smem:$0x3FDB];
	s0 =	simm.s32 @p2 $0x1  }
0x17: {  	s4 =	simm.s32 $0x1BF5;
	[smem:$0x3FBB] =	sst s0  }
0x18: {  	s0 =	sld [smem:$0x3F9E];
	_ =	swait.ge [sflag:s4], $0x0  }
0x19: {  	s7 =	sld [smem:$0x3F9F]  }
0x1a: {  	s8 =	sadd.s32 $0xFFFFE003, lr  }
0x1b: {  	s9 =	sadd.s32 $0xFFFFFEF7, lr;
	s5 =	simm.s32 $0xFFFFFFFF;
	p2 =	slt.u32 s8, $0xFFFFF086  }
0x1c: {  	p1 =	slt.u32 s9, $0xF7A;
	s5 =	simm.s32 @!p2 $0x0  }
0x1d: {  	s5 =	simm.s32 @p1 $0x1;
	p0 =	seq.s32 s7, s2  }
0x1e: {  	s7 =	smul.u32 @!p0 $0xF7A, s2;
	p2 =	seq.s32 @!p0 s5, $0x0  }
0x1f: {  	s9 =	smul.u32 $0xF7A, s1;
	s8 =	simm.s32 @!p0 $0x1BF5;
	p2 =	por !p2, p0  }
0x20: {  	[sflag:s8] =	ssyncset.s32 @!p0 $0xFFFFF086;
	s6 =	sadd.s32 @!p0 s3, s7;
	s7 =	simm.s32 @!p0 $0x108  }
0x21: {  	s3 =	sadd.s32 s3, s9;
	s6 =	sadd.s32 @!p0 $0x88, s6;
	s7 =	simm.s32 @p2 $0x1082  }
0x22: {  	[simem:s7], [sflag:s8] =	dma.local @!p0 [hbm:s6], $0xF7A  }
0x23: {  	s9 =	sor.u32 $0xD0000000, s2;
	s6 =	simm.s32 $0x108;
	_ =	swait.ge @!p0 [sflag:s8], $0x0  }
0x24: {  	s3 =	sadd.s32 $0x88, s3;
	s6 =	simm.s32 @!p1 $0x1082;
	[sflag:s4] =	ssyncset.s32 $0xFFFFF086  }
0x25: {  	[simem:s6], [sflag:s4] =	dma.local [hbm:s3], $0xF7A  }
0x26: {  	[smem:$0x3F9F] =	sst s1;
	(tag) =	ssettag s2;
	_ =	strace s9  }
0x27: {  	s1 =	sld [smem:$0x3FAF]  }
0x28: {  	s2 =	sld [smem:$0x3FB0]  }
0x29: {  	s4 =	sld [smem:$0x3FB2]  }
0x2a: {  	p0 =	seq.s32 s5, $0x0;
	s5 =	sld [smem:$0x3FB3]  }
0x2b: {  	s6 =	sld [smem:$0x3FB4]  }
0x2c: {  	s7 =	sld [smem:$0x3FB5]  }
0x2d: {  	s3 =	simm.s32 $0x108;
	s8 =	sld [smem:$0x3FB6]  }
0x2e: {  	s3 =	simm.s32 @!p0 $0x1082;
	s9 =	sld [smem:$0x3FB7]  }
0x2f: {  	lr =	sadd.s32 s0, s3;
	s0 =	sld [smem:$0x3FAE]  }
0x30: {  	s3 =	sld [smem:$0x3FB1]  }
0x31: {  	[smem:$0x3FBA] =	sst s10  }
0x32: {  	s10 =	sld [smem:$0x3FB8];
	_ =	sdelay $0x3  }
0x33: {  	p0 =	seq.s32 s10, $0x1;
	s10 =	sld [smem:$0x3FBA];
	_ =	sdelay $0x3  }
0x34: {  	[smem:$0x3FBA] =	sst s10  }
0x35: {  	s10 =	sld [smem:$0x3FB9];
	_ =	sdelay $0x3  }
0x36: {  	p1 =	seq.s32 s10, $0x1;
	s10 =	sld [smem:$0x3FBA];
	_ =	sdelay $0x3  }
0x37: {  	[smem:$0x3FBA] =	sst s10  }
0x38: {  	s10 =	sld [smem:$0x3FBB]  }
0x39: {  	_ = 	snop;
	(pc) =	sbr.ind lr, $3  }
0x3a: {  	_ = 	snop  }
0x3b: {  	_ = 	snop  }
0x3c: {  	p2 =	seq.s32 s10, $0x1;
	s10 =	sld [smem:$0x3FBA]  }
0x3d: {  	_ =	shalt  }
0x3e: {  	_ =	shalt  }
0x3f: {  	_ =	shalt  }
0x40: {  	_ =	shalt  }
0x41: {  	_ =	shalt  }
0x42: {  	_ =	shalt  }
0x43: {  	_ =	shalt  }
0x44: {  	_ =	shalt  }
0x45: {  	_ =	shalt  }
0x46: {  	_ =	shalt  }
0x47: {  	_ =	shalt  }
0x48: {  	_ =	shalt  }
0x49: {  	_ =	shalt  }
0x4a: {  	_ =	shalt  }
0x4b: {  	_ =	shalt  }
0x4c: {  	_ =	shalt  }
0x4d: {  	_ =	shalt  }
0x4e: {  	_ =	shalt  }
0x4f: {  	_ =	shalt  }
0x50: {  	_ =	shalt  }
0x51: {  	_ =	shalt  }
0x52: {  	_ =	shalt  }
0x53: {  	_ =	shalt  }
0x54: {  	_ =	shalt  }
0x55: {  	_ =	shalt  }
0x56: {  	_ =	shalt  }
0x57: {  	_ =	shalt  }
0x58: {  	_ =	shalt  }
0x59: {  	_ =	shalt  }
0x5a: {  	_ =	shalt  }
0x5b: {  	_ =	shalt  }
0x5c: {  	_ =	shalt  }
0x5d: {  	_ =	shalt  }
0x5e: {  	_ =	shalt  }
0x5f: {  	_ =	shalt  }
0x60: {  	_ =	shalt  }
0x61: {  	_ =	shalt  }
0x62: {  	_ =	shalt  }
0x63: {  	_ =	shalt  }
0x64: {  	_ =	shalt  }
0x65: {  	_ =	shalt  }
0x66: {  	_ =	shalt  }
0x67: {  	_ =	shalt  }
0x68: {  	_ =	shalt  }
0x69: {  	_ =	shalt  }
0x6a: {  	_ =	shalt  }
0x6b: {  	_ =	shalt  }
0x6c: {  	_ =	shalt  }
0x6d: {  	_ =	shalt  }
0x6e: {  	_ =	shalt  }
0x6f: {  	_ =	shalt  }
0x70: {  	_ =	shalt  }
0x71: {  	_ =	shalt  }
0x72: {  	_ =	shalt  }
0x73: {  	_ =	shalt  }
0x74: {  	_ =	shalt  }
0x75: {  	_ =	shalt  }
0x76: {  	_ =	shalt  }
0x77: {  	_ =	shalt  }
0x78: {  	_ =	shalt  }
0x79: {  	_ =	shalt  }
0x7a: {  	_ =	shalt  }
0x7b: {  	_ =	shalt  }
0x7c: {  	_ =	shalt  }
0x7d: {  	_ =	shalt  }
0x7e: {  	_ =	shalt  }
0x7f: {  	_ =	shalt  }
0x80: {  	_ =	shalt  }
0x81: {  	_ =	shalt  }
0x82: {  	_ =	shalt  }
0x83: {  	_ =	shalt  }
0x84: {  	_ =	shalt  }
0x85: {  	_ =	shalt  }
0x86: {  	_ =	shalt  }
0x87: {  	_ =	shalt  }
.Lfunc_end0:
.L_simem_size_0:
called_computation_lowered:
.L_overlay_start_0:
0x88: {  	s2 =	sld [smem:$0x3FD9]  }
0x89: {  	s3 =	sld [smem:$0x3FFE];
	_ =	sdelay $0x1  }
0x8a: {  	s1 =	srdreg.scid  }
0x8b: {  	s0 =	sand.u32 $0x1, s1  }
0x8c: {  	s17 =	sshll.u32 s0, $0xA;
	s2 =	sadd.s32 s3, s2  }
0x8d: {  	s2 =	sadd.s32 s2, s17  }
0x8e: {  	[smem:$0x3FC6] =	sst s2  }
0x8f: {  	_ = 	snop  }
0x90: {  	s2 =	sld [smem:$0x3FD0];
	(tm) =	ssettm $0x1  }
0x91: {  	s18 =	sld [smem:$0x3FFB];
	_ =	sdelay $0x3  }
0x92: {  	_ =	strace s18  }
0x93: {  	s3 =	sld [smem:$0x3FFC];
	_ =	sdelay $0x3  }
0x94: {  	_ =	strace s3  }
0x95: {  	s3 =	sld [smem:$0x3FFD];
	_ =	sdelay $0x3  }
0x96: {  	_ =	strace s3  }
0x97: {  	_ =	strace $0x8FFFFFFF  }
0x98: {  	s19 =	sld [smem:$0x3FDB];
	_ =	sdelay $0x1  }
0x99: {  	s4 =	simm.s32 $_scs_section_size  }
0x9a: {  	s5 =	simm.s32 $_size__tile_overlayer_lowered;
	s6 =	simm.s32 $_tile_overlayer_lowered  }
0x9b: {  	s22 =	simm.s32 $0x1BFF;
	s21 =	sshll.u32 s6, $0x1;
	s3 =	sadd.s32 s4, s19  }
0x9c: {  	s7 =	simm.s32 $0x0;
	s20 =	sshll.u32 s5, $0x1;
	s5 =	sadd.s32 s21, s3  }
0x9d: {  	[timem:s7], [sflag:s22] =	dma.local [hbm:s5], s20  }
0x9e: {  	_ =	swait.ge [sflag:s22], s20  }
0x9f: {  	s4 =	ssub.s32 $0x0, s20;
	[sflag:s22] =	ssyncset.done $0x0  }
0xa0: {  	[sflag:s22] =	ssyncadd.s32 s4;
	_ =	sdelay $0x1  }
0xa1: {  	s23 =	simm.s32 $0x1B8B  }
0xa2: {  	_ =	swait.ge [sflag:s23], $0x1  }
0xa3: {  	[sflag:s23] =	ssyncset.done $0x0  }
0xa4: {  	s25 =	simm.s32 $0x1B8E;
	s24 =	sld [smem:$0x3FFE];
	[sflag:s23] =	ssyncadd.s32 $0xFFFFFFFF  }
0xa5: {  	s26 =	simm.s32 $execute0_lowered;
	[smem:$0x3FD2] =	sst s25  }
0xa6: {  	s5 =	sshll.u32 s26, $0x1;
	_ =	strace $0x80000046;
	[dreg:$0x1] =	wrdreg $0xFFFFFFFF  }
0xa7: {  	s28 =	simm.s32 $_size_execute0_lowered;
	s3 =	sadd.s32 s3, s5;
	[dreg:$0x0] =	wrdreg $0x0  }
0xa8: {  	s5 =	sshll.u32 s28, $0x1;
	[dreg:$0x2] =	wrdreg s3  }
0xa9: {  	[dreg:$0x3] =	wrdreg s5  }
0xaa: {  	[dreg:$0x4] =	wrdreg $0xC0  }
0xab: {  	_ =	task [dreg:s7], $0x5FFFF  }
0xac: {  	[dreg:$0x1] =	wrdreg $0xFFFFFFFF  }
0xad: {  	[dreg:$0x0] =	wrdreg $0x60  }
0xae: {  	[dreg:$0x2] =	wrdreg s24  }
0xaf: {  	[dreg:$0x3] =	wrdreg s2  }
0xb0: {  	[dreg:$0x4] =	wrdreg $0x0  }
0xb1: {  	[dreg:$0x5] =	wrdreg $0x9  }
0xb2: {  	_ =	task.clear_ibuf [dreg:s7], $0x6FFFF;
	_ =	strace $0x90000046  }
0xb3: {  	s29 =	simm.s32 $0x9;
	_ =	strace $0x80000048  }
0xb4: {  	_ =	swait.ge [sflag:s29], $0x1  }
0xb5: {  	[sflag:s29] =	ssyncadd.s32 $0xFFFFFFFF  }
0xb6: {  	_ =	strace $0x90000048  }
0xb7: {  	_ =	sfence  }
0xb8: {  	s30 =	sld [smem:$0x0];
	_ =	sdelay $0x2  }
0xb9: {  	s31 =	sshll.u32 s1, $0xD;
	s1 =	sshrl.u32 s1, $0x2  }
0xba: {  	s3 =	sand.u32 $0x4000, s31;
	s1 =	sadd.s32 s1, s30  }
0xbb: {  	s0 =	sor.u32 s3, s0;
	s1 =	sshll.u32 s1, $0x11  }
0xbc: {  	s0 =	sor.u32 s1, s0  }
0xbd: {  	s0 =	sadd.s32 $0x8F2B, s0  }
0xbe: {  	[sflag:s0] =	ssyncadd.remote.s32 $0x1  }
0xbf: {  	_ =	sfence.sel $0xFFFF  }
0xc0: {  	[dreg:$0x0] =	wrdreg $0xFFFFFFFF;
	(pc) =	sbr.abs _section_cstart, $3  }
0xc1: {  	[dreg:$0x1] =	wrdreg $0xFFFFFFFF  }
0xc2: {  	_ =	task.clear_ibuf [dreg:s7], $0x2FFFF;
	_ =	strace $0x9FFFFFFF  }
0xc3: {  	(tm) =	ssettm $0x7FFFFFFF  }
tec
execute0_lowered:
.L_overlay_start_1:
0x0: {  	(tag) =	ssettag $0x1  }
0x1: {  	s4 =	rddreg [dreg:$0x0]  }
0x2: {  	s1 =	srdreg.scid;
	s5 =	rddreg [dreg:$0x1]  }
0x3: {  	s0 =	stileid.u32;
	s2 =	rddreg [dreg:$0x2]  }
0x4: {  	s22 =	simm.s32 $0x1040;
	s1 =	sand.u32 $0x1, s1;
	s3 =	sshll.u32 s0, $0x1  }
0x5: {  	s10 =	simm.s32 $0x1080;
	s6 =	sor.u32 s1, s3;
	s3 =	simm.s32 $0x0  }
0x6: {  	s7 =	sshll.u32 s6, $0x6;
	[smem:$0x7FF] =	sst s3;
	s8 =	sshll.u32 s6, $0x9  }
0x7: {  	s7 =	sadd.s32 s7, s4;
	_ =	strace $0x80000047;
	[dreg:$0xf] =	wrdreg s22  }
0x8: {  	s4 =	sadd.s32 s8, s4;
	[dreg:$0x10] =	wrdreg s10;
	s7 =	sadd.s32 $0x600, s7  }
0x9: {  	s13 =	sshll.u32 s0, $0x6;
	s4 =	sadd.s32 $0xE00, s4;
	[dreg:$0x4] =	wrdreg s7  }
0xa: {  	[dreg:$0x5] =	wrdreg s4;
	s7 =	sor.u32 $0x1C02, s13  }
0xb: {  	s6 =	sshll.u32 s6, $0xD;
	[dreg:$0x6] =	wrdreg s7  }
0xc: {  	s4 =	sadd.s32 s5, s6;
	s23 =	rddreg [dreg:$0x5]  }
0xd: {  	s5 =	sadd.s32 $0x400, s4;
	s9 =	rddreg [dreg:$0x4]  }
0xe: {  	s14 =	sadd.s32 $0x800, s4;
	[dreg:$0x7] =	wrdreg s5  }
0xf: {  	s15 =	sadd.s32 $0xC00, s4;
	[dreg:$0x8] =	wrdreg s14  }
0x10: {  	s16 =	sadd.s32 $0x1000, s4;
	[dreg:$0x9] =	wrdreg s15  }
0x11: {  	s17 =	sadd.s32 $0x1400, s4;
	[dreg:$0xa] =	wrdreg s16  }
0x12: {  	s18 =	sshll.u32 s0, $0xC;
	s19 =	sadd.s32 $0x1800, s4;
	[dreg:$0xb] =	wrdreg s17  }
0x13: {  	s6 =	sadd.s32 s18, s2;
	s20 =	sadd.s32 $0x1C00, s4;
	[dreg:$0xc] =	wrdreg s19  }
0x14: {  	s21 =	sshrl.u32 s6, $0x3;
	[dreg:$0xd] =	wrdreg s20  }
0x15: {  	[dreg:$0xe] =	wrdreg s21  }
0x16: {  	s24 =	rddreg [dreg:$0x6]  }
0x17: {  	s6 =	simm.s32 $0x2;
	s5 =	simm.s32 $0x1000;
	s11 =	rddreg [dreg:$0xe]  }
0x18: {  	[tilespmem:s5], [sflag:$0x1] =	stream.linear.gather [hbm4b:s9+s3], $0x200, $0x38;
	[tilespmem:$0x11200] =	vst v63  }
0x19: {  	[spmem:s11], [sflag:s24] =	dma.local [hbm:s23], $0x200  }
0x1a: {  	_ =	swait.ge [sflag:s6], $0x200  }
0x1b: {  	[sflag:s6] =	ssyncset.done $0x0  }
0x1c: {  	s7 =	simm.s32 $0x1;
	[sflag:s6] =	ssyncadd.s32 $0xFFFFFE00  }
0x1d: {  	_ =	swait.ge [sflag:s7], $0x200  }
0x1e: {  	[sflag:s7] =	ssyncset.done $0x0  }
0x1f: {  	[sflag:s7] =	ssyncadd.s32 $0xFFFFFE00  }
0x20: {  	s8 =	simm.s32 $0x40;
	s9 =	simm.s32 $0x1200;
	[bflag:$0x0] =	sbarrier.arrive $0xFFFF  }
0x21: {  	[tilespmem:s9], [sflag:$0x3] =	stream.indirect.gather [spmem:s2], $0x80, s5, s8, $0xb8;
	[tilespmem:$0x11200] =	vst v63  }
0x22: {  	s10 =	simm.s32 $0x3200;
	s25 =	rddreg [dreg:$0xf]  }
0x23: {  	[tilespmem:s10], [sflag:$0x4] =	stream.indirect.gather [spmem:s2], $0x80, s25, s8, $0xb8;
	[tilespmem:$0x11200] =	vst v63  }
0x24: {  	s11 =	simm.s32 $0x5200;
	s12 =	rddreg [dreg:$0x10]  }
0x25: {  	[tilespmem:s11], [sflag:$0x5] =	stream.indirect.gather [spmem:s2], $0x80, s12, s8, $0xb8;
	[tilespmem:$0x11200] =	vst v63  }
0x26: {  	s26 =	simm.s32 $0x10C0;
	s13 =	simm.s32 $0x7200  }
0x27: {  	[tilespmem:s13], [sflag:$0x6] =	stream.indirect.gather [spmem:s2], $0x80, s26, s8, $0xb8;
	[tilespmem:$0x11200] =	vst v63  }
0x28: {  	s15 =	simm.s32 $0x9200;
	s12 =	simm.s32 $0x1100  }
0x29: {  	[tilespmem:s15], [sflag:$0x7] =	stream.indirect.gather [spmem:s2], $0x80, s12, s8, $0xb8;
	[tilespmem:$0x11200] =	vst v63  }
0x2a: {  	s14 =	simm.s32 $0x1140;
	s17 =	simm.s32 $0xB200  }
0x2b: {  	[tilespmem:s17], [sflag:$0x8] =	stream.indirect.gather [spmem:s2], $0x80, s14, s8, $0xb8;
	[tilespmem:$0x11200] =	vst v63  }
0x2c: {  	s18 =	simm.s32 $0x1180;
	s19 =	simm.s32 $0xD200  }
0x2d: {  	[tilespmem:s19], [sflag:$0x9] =	stream.indirect.gather [spmem:s2], $0x80, s18, s8, $0xb8;
	[tilespmem:$0x11200] =	vst v63  }
0x2e: {  	s22 =	simm.s32 $0x3;
	s20 =	simm.s32 $0x11C0;
	s21 =	simm.s32 $0xF200  }
0x2f: {  	[tilespmem:s21], [sflag:$0xA] =	stream.indirect.gather [spmem:s2], $0x80, s20, s8, $0xb8;
	[tilespmem:$0x11200] =	vst v63  }
0x30: {  	_ =	swait.ge [sflag:s22], $0x2000  }
0x31: {  	[sflag:s22] =	ssyncset.done $0x0  }
0x32: {  	s23 =	simm.s32 $0x4;
	[sflag:s22] =	ssyncadd.s32 $0xFFFFE000  }
0x33: {  	[hbm4b:s4+s3] =	stream.linear.scatter [tilespmem:s9], [sflag:$0xB], $0x2000, $0x38;
	[tilespmem:$0x11200] =	vst v63  }
0x34: {  	_ =	swait.ge [sflag:s23], $0x2000  }
0x35: {  	[sflag:s23] =	ssyncset.done $0x0  }
0x36: {  	s24 =	rddreg [dreg:$0x7];
	[sflag:s23] =	ssyncadd.s32 $0xFFFFE000  }
0x37: {  	[hbm4b:s24+s3] =	stream.linear.scatter [tilespmem:s10], [sflag:$0xB], $0x2000, $0x38;
	[tilespmem:$0x11200] =	vst v63  }
0x38: {  	s24 =	simm.s32 $0x5  }
0x39: {  	_ =	swait.ge [sflag:s24], $0x2000  }
0x3a: {  	[sflag:s24] =	ssyncset.done $0x0  }
0x3b: {  	s25 =	rddreg [dreg:$0x8];
	[sflag:s24] =	ssyncadd.s32 $0xFFFFE000  }
0x3c: {  	[hbm4b:s25+s3] =	stream.linear.scatter [tilespmem:s11], [sflag:$0xB], $0x2000, $0x38;
	[tilespmem:$0x11200] =	vst v63  }
0x3d: {  	s25 =	simm.s32 $0x6  }
0x3e: {  	_ =	swait.ge [sflag:s25], $0x2000  }
0x3f: {  	[sflag:s25] =	ssyncset.done $0x0  }
0x40: {  	s26 =	rddreg [dreg:$0x9];
	[sflag:s25] =	ssyncadd.s32 $0xFFFFE000  }
0x41: {  	[hbm4b:s26+s3] =	stream.linear.scatter [tilespmem:s13], [sflag:$0xB], $0x2000, $0x38;
	[tilespmem:$0x11200] =	vst v63  }
0x42: {  	s26 =	simm.s32 $0x7  }
0x43: {  	_ =	swait.ge [sflag:s26], $0x2000  }
0x44: {  	[sflag:s26] =	ssyncset.done $0x0  }
0x45: {  	s28 =	rddreg [dreg:$0xa];
	[sflag:s26] =	ssyncadd.s32 $0xFFFFE000  }
0x46: {  	[hbm4b:s28+s3] =	stream.linear.scatter [tilespmem:s15], [sflag:$0xB], $0x2000, $0x38;
	[tilespmem:$0x11200] =	vst v63  }
0x47: {  	s28 =	simm.s32 $0x8  }
0x48: {  	_ =	swait.ge [sflag:s28], $0x2000  }
0x49: {  	[sflag:s28] =	ssyncset.done $0x0  }
0x4a: {  	s29 =	rddreg [dreg:$0xb];
	[sflag:s28] =	ssyncadd.s32 $0xFFFFE000  }
0x4b: {  	[hbm4b:s29+s3] =	stream.linear.scatter [tilespmem:s17], [sflag:$0xB], $0x2000, $0x38;
	[tilespmem:$0x11200] =	vst v63  }
0x4c: {  	s29 =	simm.s32 $0x9  }
0x4d: {  	_ =	swait.ge [sflag:s29], $0x2000  }
0x4e: {  	[sflag:s29] =	ssyncset.done $0x0  }
0x4f: {  	s30 =	rddreg [dreg:$0xc];
	[sflag:s29] =	ssyncadd.s32 $0xFFFFE000  }
0x50: {  	[hbm4b:s30+s3] =	stream.linear.scatter [tilespmem:s19], [sflag:$0xB], $0x2000, $0x38;
	[tilespmem:$0x11200] =	vst v63  }
0x51: {  	s30 =	simm.s32 $0xA  }
0x52: {  	_ =	swait.ge [sflag:s30], $0x2000  }
0x53: {  	[sflag:s30] =	ssyncset.done $0x0  }
0x54: {  	s31 =	rddreg [dreg:$0xd];
	[sflag:s30] =	ssyncadd.s32 $0xFFFFE000  }
0x55: {  	[hbm4b:s31+s3] =	stream.linear.scatter [tilespmem:s21], [sflag:$0xB], $0x2000, $0x38;
	[tilespmem:$0x11200] =	vst v63  }
0x56: {  	s31 =	simm.s32 $0xB  }
0x57: {  	_ =	swait.ge [sflag:s31], $0x2000  }
0x58: {  	[sflag:s31] =	ssyncset.done $0x0  }
0x59: {  	[sflag:s31] =	ssyncadd.s32 $0xFFFFE000  }
0x5a: {  	_ =	swait.ge [sflag:s31], $0x2000  }
0x5b: {  	[sflag:s31] =	ssyncset.done $0x0  }
0x5c: {  	[sflag:s31] =	ssyncadd.s32 $0xFFFFE000  }
0x5d: {  	_ =	swait.ge [sflag:s31], $0x2000  }
0x5e: {  	[sflag:s31] =	ssyncset.done $0x0  }
0x5f: {  	[sflag:s31] =	ssyncadd.s32 $0xFFFFE000  }
0x60: {  	_ =	swait.ge [sflag:s31], $0x2000  }
0x61: {  	[sflag:s31] =	ssyncset.done $0x0  }
0x62: {  	[sflag:s31] =	ssyncadd.s32 $0xFFFFE000  }
0x63: {  	s1 =	ssub.s32 $0x2, s1;
	_ =	swait.ge [sflag:s31], $0x2000  }
0x64: {  	s16 =	sshrl.u32 s1, $0x1;
	[sflag:s31] =	ssyncset.done $0x0  }
0x65: {  	s0 =	ssub.s32 s1, s16;
	[sflag:s31] =	ssyncadd.s32 $0xFFFFE000  }
0x66: {  	s0 =	smax.u32 s0, $0x1;
	_ =	swait.ge [sflag:s31], $0x2000  }
0x67: {  	p0 =	sne.s32 s0, $0x1;
	[sflag:s31] =	ssyncset.done $0x0  }
.Ltmp0:
0x68: {  	[sflag:s31] =	ssyncadd.s32 $0xFFFFE000;
	(pc) =	sbr.rel @!p0 .LBB2_2-.Ltmp0, $4  }
0x69: {  	_ =	swait.ge [sflag:s31], $0x2000  }
0x6a: {  	[sflag:s31] =	ssyncset.done $0x0  }
0x6b: {  	[sflag:s31] =	ssyncadd.s32 $0xFFFFE000  }
0x6c: {  	s1 =	sadd.s32 $0xFFFFFFFF, s0;
	_ =	swait.ge [sflag:s31], $0x2000  }
.LBB2_1:
0x6d: {  	s0 =	rddreg [dreg:$0x5]  }
0x6e: {  	s12 =	rddreg [dreg:$0x6]  }
0x6f: {  	[sflag:s31] =	ssyncset.done $0x0;
	s14 =	rddreg [dreg:$0x4]  }
0x70: {  	s16 =	rddreg [dreg:$0xe];
	[sflag:s31] =	ssyncadd.s32 $0xFFFFE000  }
0x71: {  	[tilespmem:s5], [sflag:$0x1] =	stream.linear.gather [hbm4b:s14+s3], $0x200, $0x38;
	[tilespmem:$0x11200] =	vst v63  }
0x72: {  	[spmem:s16], [sflag:s12] =	dma.local [hbm:s0], $0x200  }
0x73: {  	_ =	swait.ge [sflag:s6], $0x200  }
0x74: {  	[sflag:s6] =	ssyncset.done $0x0  }
0x75: {  	[sflag:s6] =	ssyncadd.s32 $0xFFFFFE00  }
0x76: {  	_ =	swait.ge [sflag:s7], $0x200  }
0x77: {  	[sflag:s7] =	ssyncset.done $0x0  }
0x78: {  	[sflag:s7] =	ssyncadd.s32 $0xFFFFFE00  }
0x79: {  	[bflag:$0x0] =	sbarrier.arrive $0xFFFF  }
0x7a: {  	[tilespmem:s9], [sflag:$0x3] =	stream.indirect.gather [spmem:s2], $0x80, s5, s8, $0xb8;
	[tilespmem:$0x11200] =	vst v63  }
0x7b: {  	s12 =	rddreg [dreg:$0xf]  }
0x7c: {  	[tilespmem:s10], [sflag:$0x4] =	stream.indirect.gather [spmem:s2], $0x80, s12, s8, $0xb8;
	[tilespmem:$0x11200] =	vst v63  }
0x7d: {  	s14 =	rddreg [dreg:$0x10]  }
0x7e: {  	[tilespmem:s11], [sflag:$0x5] =	stream.indirect.gather [spmem:s2], $0x80, s14, s8, $0xb8;
	[tilespmem:$0x11200] =	vst v63  }
0x7f: {  	s16 =	simm.s32 $0x10C0  }
0x80: {  	[tilespmem:s13], [sflag:$0x6] =	stream.indirect.gather [spmem:s2], $0x80, s16, s8, $0xb8;
	[tilespmem:$0x11200] =	vst v63  }
0x81: {  	s12 =	simm.s32 $0x1100  }
0x82: {  	[tilespmem:s15], [sflag:$0x7] =	stream.indirect.gather [spmem:s2], $0x80, s12, s8, $0xb8;
	[tilespmem:$0x11200] =	vst v63  }
0x83: {  	s14 =	simm.s32 $0x1140  }
0x84: {  	[tilespmem:s17], [sflag:$0x8] =	stream.indirect.gather [spmem:s2], $0x80, s14, s8, $0xb8;
	[tilespmem:$0x11200] =	vst v63  }
0x85: {  	_ = 	snop  }
0x86: {  	[tilespmem:s19], [sflag:$0x9] =	stream.indirect.gather [spmem:s2], $0x80, s18, s8, $0xb8;
	[tilespmem:$0x11200] =	vst v63  }
0x87: {  	_ = 	snop  }
0x88: {  	[tilespmem:s21], [sflag:$0xA] =	stream.indirect.gather [spmem:s2], $0x80, s20, s8, $0xb8;
	[tilespmem:$0x11200] =	vst v63  }
0x89: {  	_ =	swait.ge [sflag:s22], $0x2000  }
0x8a: {  	[sflag:s22] =	ssyncset.done $0x0  }
0x8b: {  	[sflag:s22] =	ssyncadd.s32 $0xFFFFE000  }
0x8c: {  	[hbm4b:s4+s3] =	stream.linear.scatter [tilespmem:s9], [sflag:$0xB], $0x2000, $0x38;
	[tilespmem:$0x11200] =	vst v63  }
0x8d: {  	_ =	swait.ge [sflag:s23], $0x2000  }
0x8e: {  	[sflag:s23] =	ssyncset.done $0x0  }
0x8f: {  	s16 =	rddreg [dreg:$0x7];
	[sflag:s23] =	ssyncadd.s32 $0xFFFFE000  }
0x90: {  	[hbm4b:s16+s3] =	stream.linear.scatter [tilespmem:s10], [sflag:$0xB], $0x2000, $0x38;
	[tilespmem:$0x11200] =	vst v63  }
0x91: {  	_ =	swait.ge [sflag:s24], $0x2000  }
0x92: {  	[sflag:s24] =	ssyncset.done $0x0  }
0x93: {  	s12 =	rddreg [dreg:$0x8];
	[sflag:s24] =	ssyncadd.s32 $0xFFFFE000  }
0x94: {  	[hbm4b:s12+s3] =	stream.linear.scatter [tilespmem:s11], [sflag:$0xB], $0x2000, $0x38;
	[tilespmem:$0x11200] =	vst v63  }
0x95: {  	_ =	swait.ge [sflag:s25], $0x2000  }
0x96: {  	[sflag:s25] =	ssyncset.done $0x0  }
0x97: {  	s14 =	rddreg [dreg:$0x9];
	[sflag:s25] =	ssyncadd.s32 $0xFFFFE000  }
0x98: {  	[hbm4b:s14+s3] =	stream.linear.scatter [tilespmem:s13], [sflag:$0xB], $0x2000, $0x38;
	[tilespmem:$0x11200] =	vst v63  }
0x99: {  	_ =	swait.ge [sflag:s26], $0x2000  }
0x9a: {  	[sflag:s26] =	ssyncset.done $0x0  }
0x9b: {  	s16 =	rddreg [dreg:$0xa];
	[sflag:s26] =	ssyncadd.s32 $0xFFFFE000  }
0x9c: {  	[hbm4b:s16+s3] =	stream.linear.scatter [tilespmem:s15], [sflag:$0xB], $0x2000, $0x38;
	[tilespmem:$0x11200] =	vst v63  }
0x9d: {  	_ =	swait.ge [sflag:s28], $0x2000  }
0x9e: {  	[sflag:s28] =	ssyncset.done $0x0  }
0x9f: {  	s12 =	rddreg [dreg:$0xb];
	[sflag:s28] =	ssyncadd.s32 $0xFFFFE000  }
0xa0: {  	[hbm4b:s12+s3] =	stream.linear.scatter [tilespmem:s17], [sflag:$0xB], $0x2000, $0x38;
	[tilespmem:$0x11200] =	vst v63  }
0xa1: {  	_ =	swait.ge [sflag:s29], $0x2000  }
0xa2: {  	[sflag:s29] =	ssyncset.done $0x0  }
0xa3: {  	s14 =	rddreg [dreg:$0xc];
	[sflag:s29] =	ssyncadd.s32 $0xFFFFE000  }
0xa4: {  	[hbm4b:s14+s3] =	stream.linear.scatter [tilespmem:s19], [sflag:$0xB], $0x2000, $0x38;
	[tilespmem:$0x11200] =	vst v63  }
0xa5: {  	_ =	swait.ge [sflag:s30], $0x2000  }
0xa6: {  	[sflag:s30] =	ssyncset.done $0x0  }
0xa7: {  	s16 =	rddreg [dreg:$0xd];
	[sflag:s30] =	ssyncadd.s32 $0xFFFFE000  }
0xa8: {  	[hbm4b:s16+s3] =	stream.linear.scatter [tilespmem:s21], [sflag:$0xB], $0x2000, $0x38;
	[tilespmem:$0x11200] =	vst v63  }
0xa9: {  	_ =	swait.ge [sflag:s31], $0x2000  }
0xaa: {  	[sflag:s31] =	ssyncset.done $0x0  }
0xab: {  	[sflag:s31] =	ssyncadd.s32 $0xFFFFE000  }
0xac: {  	_ =	swait.ge [sflag:s31], $0x2000  }
0xad: {  	[sflag:s31] =	ssyncset.done $0x0  }
0xae: {  	[sflag:s31] =	ssyncadd.s32 $0xFFFFE000  }
0xaf: {  	_ =	swait.ge [sflag:s31], $0x2000  }
0xb0: {  	[sflag:s31] =	ssyncset.done $0x0  }
0xb1: {  	[sflag:s31] =	ssyncadd.s32 $0xFFFFE000  }
0xb2: {  	_ =	swait.ge [sflag:s31], $0x2000  }
0xb3: {  	[sflag:s31] =	ssyncset.done $0x0  }
0xb4: {  	[sflag:s31] =	ssyncadd.s32 $0xFFFFE000  }
0xb5: {  	_ =	swait.ge [sflag:s31], $0x2000  }
0xb6: {  	[sflag:s31] =	ssyncset.done $0x0  }
0xb7: {  	[sflag:s31] =	ssyncadd.s32 $0xFFFFE000  }
0xb8: {  	_ =	swait.ge [sflag:s31], $0x2000  }
0xb9: {  	p0 =	sne.s32 s1, $0x1;
	[sflag:s31] =	ssyncset.done $0x0  }
.Ltmp1:
0xba: {  	[sflag:s31] =	ssyncadd.s32 $0xFFFFE000;
	(pc) =	sbr.rel @p0 .LBB2_1-.Ltmp1, $4  }
0xbb: {  	_ =	swait.ge [sflag:s31], $0x2000  }
0xbc: {  	[sflag:s31] =	ssyncset.done $0x0  }
0xbd: {  	[sflag:s31] =	ssyncadd.s32 $0xFFFFE000  }
0xbe: {  	s1 =	sadd.s32 $0xFFFFFFFF, s1;
	_ =	swait.ge [sflag:s31], $0x2000  }
.LBB2_2:
0xbf: {  	[sflag:s31] =	ssyncset.done $0x0  }
0xc0: {  	[sflag:s31] =	ssyncadd.s32 $0xFFFFE000  }
0xc1: {  	_ =	sfence.sel $0x180000  }
0xc2: {  	[bflag:$0x0] =	sbarrier.arrive $0xFFFF  }
0xc3: {  	_ =	strace $0x90000047  }
0xc4: {  	s0 =	stileid.u32;
	[bflag:$0x2] =	sbarrier.arrive $0xFFFF  }
0xc5: {  	p0 =	sne.s32 s0, $0x0;
	s0 =	rddreg [dreg:$0x3]  }
0xc6: {  	s0 =	sadd.s32 @!p0 $0x100000, s0  }
0xc7: {  	[sflag:s0] =	ssyncadd.tile.s32 @!p0 $0x1;
	_ =	shalt  }
.Lfunc_end2:
_tile_overlayer_lowered:
.L_overlay_start_2:
0xc8: {  	(tag) =	ssettag $0x2  }
0xc9: {  	s0 =	rddreg [dreg:$0x0];
	s2 =	stileid.u32  }
0xca: {  	s1 =	rddreg [dreg:$0x1];
	p0 =	sne.s32 s2, $0x0  }
0xcb: {  	s3 =	rddreg [dreg:$0x2];
	[bflag:$0x3] =	sbarrier.arrive $0xFFFF;
	s2 =	simm.s32 @!p0 $0x1C0C  }
0xcc: {  	[timem:s3], [sflag:s2] =	dma.local @!p0 [hbm:s0], s1  }
0xcd: {  	s0 =	simm.s32 @!p0 $0xC  }
0xce: {  	_ =	swait.ge @!p0 [sflag:s0], s1  }
0xcf: {  	s1 =	ssub.s32 @!p0 $0x0, s1;
	[sflag:s0] =	ssyncset.done @!p0 $0x0  }
0xd0: {  	[sflag:s0] =	ssyncadd.s32 @!p0 s1  }
0xd1: {  	[bflag:$0x3] =	sbarrier.arrive $0xFFFF  }
0xd2: {  	_ =	shalt  }

</sc_bundles>
